<compile_context>
chip_gen: v7x
topology: tpu7x:2x2x1
jax: 0.10.2.dev20260603
libtpu: 0.0.44.dev20260713+nightly
codegen_flags: <defaults>
</compile_context>

<pallas_src>
import functools

import jax
import jax.numpy as jnp
from jax import lax
from jax.experimental import pallas as pl
from jax.experimental.pallas import tpu as pltpu
from jax.experimental.pallas import tpu_sc as plsc

_E = 8
_SCALE = 0.01
_BT = 128
_NH = 2
_NC = 2
_NSC = 16
_NW = _NC * _NSC



def _sc_mesh():
    return plsc.VectorSubcoreMesh(core_axis_name="c", subcore_axis_name="s",
                                  num_cores=_NC, num_subcores=_NSC)


_SC_PARAMS = pltpu.CompilerParams(needs_layout_passes=False)


def _route_body(T, lt_ref, topi_ref, dest_ref, src_ref, off_ref,
                lt_v, be_v, dst_v, src_v, stage_v, ctr_v):
    cid = lax.axis_index("c")
    sid = lax.axis_index("s")
    lanes = jnp.arange(16, dtype=jnp.int32)
    ng = T // 16

    @pl.when(jnp.logical_and(cid == 0, sid == 0))
    def _():
        pltpu.sync_copy(lt_ref, lt_v)
        ctr_v[...] = jnp.zeros((16,), jnp.int32)

        def amax_body(g, c):
            sl = pl.ds(g * 16, 16)
            m = lt_v[0, sl]
            be = jnp.zeros((16,), jnp.int32)
            for e in range(1, _E):
                v = lt_v[e, sl]
                gt = v > m
                m = jnp.where(gt, v, m)
                be = jnp.where(gt, e, be)
            be_v[sl] = be
            rank, lastm = plsc.scan_count(be)
            base = plsc.load_gather(ctr_v, [be])
            dst_v[sl] = base + rank - 1
            plsc.store_scatter(ctr_v, [be], base + rank, mask=lastm)
            return c

        lax.fori_loop(0, ng, amax_body, 0)
        pltpu.sync_copy(be_v, topi_ref)

        cnt = ctr_v[...]
        inc = plsc.cumsum(cnt)
        exc = inc - cnt
        stage_v[...] = jnp.where(lanes < _E, exc, T)
        pltpu.sync_copy(stage_v, off_ref)

        def add_off_body(g, c):
            sl = pl.ds(g * 16, 16)
            beg = be_v[sl]
            o = plsc.load_gather(stage_v, [beg])
            d = jnp.clip(dst_v[sl] + o, 0, T - 1)
            dst_v[sl] = d
            plsc.store_scatter(src_v, [d],
                               g * 16 + jnp.arange(16, dtype=jnp.int32))
            return c

        lax.fori_loop(0, ng, add_off_body, 0)
        pltpu.sync_copy(dst_v, dest_ref)
        pltpu.sync_copy(src_v, src_ref)


def _gather_rows_body(T, table_ref, idx_ref, out_ref, idx_v, rows_v, sem):
    wid = lax.axis_index("s") * _NC + lax.axis_index("c")
    bpw = T // _NW
    base = wid * bpw
    pltpu.sync_copy(idx_ref.at[pl.ds(base, bpw)], idx_v)
    pltpu.async_copy(table_ref.at[idx_v], rows_v, sem).wait()
    pltpu.sync_copy(rows_v, out_ref.at[pl.ds(base, bpw)])


def _sc_route(logitsT, T):
    fn = pl.kernel(
        functools.partial(_route_body, T),
        out_type=[jax.ShapeDtypeStruct((T,), jnp.int32),
                  jax.ShapeDtypeStruct((T,), jnp.int32),
                  jax.ShapeDtypeStruct((T,), jnp.int32),
                  jax.ShapeDtypeStruct((16,), jnp.int32)],
        mesh=_sc_mesh(),
        compiler_params=_SC_PARAMS,
        scratch_types=[pltpu.VMEM((_E, T), jnp.float32),
                       pltpu.VMEM((T,), jnp.int32),
                       pltpu.VMEM((T,), jnp.int32),
                       pltpu.VMEM((T,), jnp.int32),
                       pltpu.VMEM((16,), jnp.int32),
                       pltpu.VMEM((16,), jnp.int32)],
    )
    return fn(logitsT)


def _sc_gather_rows(table, idx, T, D):
    bpw = T // _NW
    fn = pl.kernel(
        functools.partial(_gather_rows_body, T),
        out_type=jax.ShapeDtypeStruct((T, D), jnp.float32),
        mesh=_sc_mesh(),
        compiler_params=_SC_PARAMS,
        scratch_types=[pltpu.VMEM((bpw,), jnp.int32),
                       pltpu.VMEM((bpw, D), jnp.float32),
                       pltpu.SemaphoreType.DMA],
    )
    return fn(table, idx)



def _ffn_body(off_ref, x_ref, w1_ref, b1_ref, w2_ref, b2_ref, wp_ref, bp_ref,
              out_ref):
    e = pl.program_id(0)
    h = pl.program_id(1)
    lo = off_ref[e]
    hi = off_ref[e + 1]
    astart = (lo // 8) * 8
    nch = pl.cdiv(hi - astart, _BT)
    T = x_ref.shape[0]

    def chunk(i, _):
        ustart = astart + i * _BT
        start = jnp.minimum(ustart, T - _BT)
        xb = x_ref[pl.ds(start, _BT), :]
        h1 = jnp.dot(xb, w1_ref[0], preferred_element_type=jnp.float32)
        h1 = h1 + b1_ref[0]
        h2 = jnp.dot(xb, w2_ref[0], preferred_element_type=jnp.float32)
        h2 = h2 + b2_ref[0]
        act = h1 * (h2 * jax.nn.sigmoid(h2))
        o = jnp.dot(act, wp_ref[0], preferred_element_type=jnp.float32)
        p = start + jax.lax.broadcasted_iota(jnp.int32, (_BT, 1), 0)
        mask = jnp.logical_and(p >= jnp.maximum(lo, ustart), p < hi)
        prev = out_ref[pl.ds(start, _BT), :]

        @pl.when(h == 0)
        def _():
            out_ref[pl.ds(start, _BT), :] = jnp.where(mask, o + bp_ref[0],
                                                      prev)

        @pl.when(h != 0)
        def _():
            out_ref[pl.ds(start, _BT), :] = prev + jnp.where(mask, o, 0.0)

        return 0

    jax.lax.fori_loop(0, nch, chunk, 0)


def _grouped_ffn(x_sorted, W1, b1, W2, b2, Wp, bp, off):
    T, D = x_sorted.shape
    H = W1.shape[-1]
    HC = H // _NH
    grid_spec = pltpu.PrefetchScalarGridSpec(
        num_scalar_prefetch=1,
        grid=(_E, _NH),
        in_specs=[
            pl.BlockSpec((T, D), lambda e, h, off: (0, 0)),
            pl.BlockSpec((1, D, HC), lambda e, h, off: (e, 0, h)),
            pl.BlockSpec((1, 1, HC), lambda e, h, off: (e, 0, h)),
            pl.BlockSpec((1, D, HC), lambda e, h, off: (e, 0, h)),
            pl.BlockSpec((1, 1, HC), lambda e, h, off: (e, 0, h)),
            pl.BlockSpec((1, HC, D), lambda e, h, off: (e, h, 0)),
            pl.BlockSpec((1, 1, D), lambda e, h, off: (e, 0, 0)),
        ],
        out_specs=pl.BlockSpec((T, D), lambda e, h, off: (0, 0)),
    )
    return pl.pallas_call(
        _ffn_body,
        grid_spec=grid_spec,
        out_shape=jax.ShapeDtypeStruct((T, D), jnp.float32),
    )(off, x_sorted, W1,
      b1.reshape(b1.shape[0], 1, b1.shape[1]), W2,
      b2.reshape(b2.shape[0], 1, b2.shape[1]), Wp,
      bp.reshape(bp.shape[0], 1, bp.shape[1]))


def kernel(x, gate_W, noise_weight, W1, b1, W2, b2, Wp, bp, noise):
    x_flat = x.reshape(-1, x.shape[-1])
    T, D = x_flat.shape
    E = gate_W.shape[-1]
    logits = x_flat @ gate_W
    logits_noisy = logits + noise * noise_weight[None, :]
    gw_mean = jax.nn.softmax(logits, axis=-1).mean(axis=0)
    lb_loss = jnp.mean((gw_mean - 1.0 / E) ** 2) * _SCALE

    topi_flat, dest, src, off16 = _sc_route(logits_noisy.T, T)
    off = jnp.clip(off16[:E + 1], 0, T)
    x_sorted = _sc_gather_rows(x_flat, src, T, D)
    out_sorted = _grouped_ffn(x_sorted, W1, b1, W2, b2, Wp, bp, off)
    final_flat = _sc_gather_rows(out_sorted, dest, T, D)
    final = final_flat.reshape(x.shape)
    return final, topi_flat[:, None], lb_loss

# --- scband reference (transcript-rebuilt; emitter-appended) ---
"""Pipeline reference for scband-mo-elayer-68049461838426 (READ-ONLY COPY).

The authoritative reference and input builder live on the scoring server;
editing this copy changes nothing except your own understanding.
"""

import jax, jax.numpy as jnp
import numpy as np

B, S, D, E, K = 1, 2048, 768, 8, 1
H = 4 * D
SCALE = 0.01


def setup_inputs(seed: int = 0) -> dict:
    key = jax.random.key(seed)
    ks = jax.random.split(key, 8)
    x = jax.random.normal(ks[0], (B, S, D), dtype=jnp.float32)
    gate_W = jax.random.normal(ks[1], (D, E), dtype=jnp.float32) * 0.02
    noise_weight = jnp.zeros((E,), dtype=jnp.float32)
    noise = jax.random.normal(ks[2], (B * S, E), dtype=jnp.float32)
    W1 = jax.random.normal(ks[3], (E, D, H), dtype=jnp.float32) * 0.02
    b1 = jnp.zeros((E, H), dtype=jnp.float32)
    W2 = jax.random.normal(ks[4], (E, D, H), dtype=jnp.float32) * 0.02
    b2 = jnp.zeros((E, H), dtype=jnp.float32)
    Wp = jax.random.normal(ks[5], (E, H, D), dtype=jnp.float32) * 0.02
    bp = jnp.zeros((E, D), dtype=jnp.float32)
    return {"x": x, "gate_W": gate_W, "noise_weight": noise_weight,
            "W1": W1, "b1": b1, "W2": W2, "b2": b2, "Wp": Wp, "bp": bp,
            "noise": noise}


def reference(x, gate_W, noise_weight, W1, b1, W2, b2, Wp, bp, noise):
    x_flat = x.reshape(-1, x.shape[-1])
    T = x_flat.shape[0]
    # gate: noisy top-k routing (noise_weight init is zeros, matching torch)
    logits = x_flat @ gate_W
    logits_noisy = logits + noise * noise_weight[None, :]
    topv, topi = jax.lax.top_k(logits_noisy, K)
    sparse = jnp.full_like(logits_noisy, -jnp.inf)
    rows = jnp.arange(T)[:, None]
    sparse = sparse.at[rows, topi].set(topv)
    gate_weights = jax.nn.softmax(sparse, axis=-1)  # zeros for non-topk experts
    # load balance loss on clean logits
    gw_mean = jax.nn.softmax(logits, axis=-1).mean(axis=0)
    lb_loss = jnp.mean((gw_mean - 1.0 / E) ** 2) * SCALE
    # experts: dense compute over all experts; non-selected experts have
    # gate weight exactly 0 so the weighted sum is identical to the masked
    # scatter-add in the torch reference.
    h1 = jnp.einsum('td,edh->teh', x_flat, W1) + b1[None]
    h2 = jnp.einsum('td,edh->teh', x_flat, W2) + b2[None]
    act = h1 * jax.nn.silu(h2)
    out_e = jnp.einsum('teh,ehd->ted', act, Wp) + bp[None]
    final_flat = jnp.einsum('te,ted->td', gate_weights, out_e)
    final = final_flat.reshape(x.shape)
    return final, topi, lb_loss

if __name__ == "__main__":
    import jax
    _d = setup_inputs()
    print(jax.jit(kernel)(*tuple(_d.values())))

</pallas_src>

<mosaic_0001>
#map = affine_map<(d0, d1) -> (0, 0)>
#map1 = affine_map<(d0, d1) -> (0)>
module attributes {stable_mosaic.version = 14 : i64} {
  func.func @_route_body(%arg0: i32, %arg1: i32, %arg2: memref<8x2048xf32, #tpu.memory_space<hbm>>, %arg3: memref<2048xi32, #tpu.memory_space<hbm>>, %arg4: memref<2048xi32, #tpu.memory_space<hbm>>, %arg5: memref<2048xi32, #tpu.memory_space<hbm>>, %arg6: memref<16xi32, #tpu.memory_space<hbm>>, %arg7: memref<8x2048xf32, #tpu.memory_space<vmem>>, %arg8: memref<2048xi32, #tpu.memory_space<vmem>>, %arg9: memref<2048xi32, #tpu.memory_space<vmem>>, %arg10: memref<2048xi32, #tpu.memory_space<vmem>>, %arg11: memref<16xi32, #tpu.memory_space<vmem>>, %arg12: memref<16xi32, #tpu.memory_space<vmem>>) attributes {dimension_semantics = [#tpu.dimension_semantics<core_parallel>, #tpu.dimension_semantics<subcore_parallel>], iteration_bounds = array<i64: 2, 16>, scalar_prefetch = 0 : i64, scratch_operands = 6 : i64, tpu.core_type = #tpu.core_type<sc_vector_subcore>, window_params = [{transform_indices = #map}, {transform_indices = #map1}, {transform_indices = #map1}, {transform_indices = #map1}, {transform_indices = #map1}]} {
    %iota3A = tpu.iota {dimensions = array<i32: 0>} : vector<16xi32>
    %eq3A = arith.constant 0 : i32
    %eq3A_0 = arith.cmpi eq, %arg0, %eq3A : i32
    %eq3A_1 = arith.constant 0 : i32
    %eq3A_2 = arith.cmpi eq, %arg1, %eq3A_1 : i32
    %and3A = arith.andi %eq3A_0, %eq3A_2 : i1
    %convert_element_type3A = arith.extui %and3A : i1 to i32
    %cond3A = arith.constant 0 : i32
    %cond3A_3 = arith.cmpi ne, %convert_element_type3A, %cond3A : i32
    scf.if %cond3A_3 {
      "tpu.region"() ({
        %run_scoped3A = tpu.sem_alloc : memref<!tpu.dma_semaphore, #tpu.memory_space<semaphore_mem>>
        tpu.enqueue_dma source(%arg2 : memref<8x2048xf32, #tpu.memory_space<hbm>>) target(%arg7 : memref<8x2048xf32, #tpu.memory_space<vmem>>) target_semaphore(%run_scoped3A : memref<!tpu.dma_semaphore, #tpu.memory_space<semaphore_mem>>)
        tpu.wait_dma2 semaphore(%run_scoped3A : memref<!tpu.dma_semaphore, #tpu.memory_space<semaphore_mem>>) src(%arg2 : memref<8x2048xf32, #tpu.memory_space<hbm>>) dst(%arg7 : memref<8x2048xf32, #tpu.memory_space<vmem>>)
        tpu.yield
      }) : () -> ()
      %broadcast_in_dim3A = arith.constant 0 : i32
      %broadcast_in_dim3A_4 = vector.broadcast %broadcast_in_dim3A : i32 to vector<16xi32>
      %swap3A = arith.constant 0 : index
      %swap3A_5 = tpu.vector_load %arg12[%swap3A] {strides = array<i32>} : memref<16xi32, #tpu.memory_space<vmem>>, vector<16xi32>,
      tpu.vector_store %arg12[%swap3A], %broadcast_in_dim3A_4 {strides = array<i32>} : memref<16xi32, #tpu.memory_space<vmem>>, vector<16xi32>,
      %scan3A = arith.constant 0 : i32
      %scan3A_6 = arith.constant 0 : i32
      %scan3A_7 = arith.constant 128 : i32
      %scan3A_8 = arith.addi %scan3A_6, %scan3A_7 : i32
      %scan3A_9 = arith.constant 1 : i32
      scf.for %scan3A_25 = %scan3A_6 to %scan3A_8 step %scan3A_9  : i32 {
        %mul3A = arith.constant 16 : i32
        %mul3A_26 = arith.muli %scan3A_25, %mul3A : i32
        %get3A_27 = arith.constant 0 : i32
        %get3A_28 = arith.index_cast %get3A_27 : i32 to index
        %get3A_29 = arith.index_cast %mul3A_26 : i32 to index
        %get3A_30 = tpu.vector_load %arg7[%get3A_28, %get3A_29] {strides = array<i32>} : memref<8x2048xf32, #tpu.memory_space<vmem>>, vector<16xf32>,
        %broadcast_in_dim3A_31 = arith.constant 0 : i32
        %broadcast_in_dim3A_32 = vector.broadcast %broadcast_in_dim3A_31 : i32 to vector<16xi32>
        %get3A_33 = arith.constant 1 : i32
        %get3A_34 = arith.index_cast %get3A_33 : i32 to index
        %get3A_35 = arith.index_cast %mul3A_26 : i32 to index
        %get3A_36 = tpu.vector_load %arg7[%get3A_34, %get3A_35] {strides = array<i32>} : memref<8x2048xf32, #tpu.memory_space<vmem>>, vector<16xf32>,
        %gt3A = arith.cmpf ogt, %get3A_36, %get3A_30 : vector<16xf32>
        %select_n3A_37 = arith.select %gt3A, %get3A_36, %get3A_30 : vector<16xi1>, vector<16xf32>
        %jit3A_38 = arith.constant 1 : i32
        %broadcast_in_dim3A_39 = vector.broadcast %jit3A_38 : i32 to vector<16xi32>
        %select_n3A_40 = arith.select %gt3A, %broadcast_in_dim3A_39, %broadcast_in_dim3A_32 : vector<16xi1>, vector<16xi32>
        %get3A_41 = arith.constant 2 : i32
        %get3A_42 = arith.index_cast %get3A_41 : i32 to index
        %get3A_43 = arith.index_cast %mul3A_26 : i32 to index
        %get3A_44 = tpu.vector_load %arg7[%get3A_42, %get3A_43] {strides = array<i32>} : memref<8x2048xf32, #tpu.memory_space<vmem>>, vector<16xf32>,
        %gt3A_45 = arith.cmpf ogt, %get3A_44, %select_n3A_37 : vector<16xf32>
        %select_n3A_46 = arith.select %gt3A_45, %get3A_44, %select_n3A_37 : vector<16xi1>, vector<16xf32>
        %jit3A_47 = arith.constant 2 : i32
        %broadcast_in_dim3A_48 = vector.broadcast %jit3A_47 : i32 to vector<16xi32>
        %select_n3A_49 = arith.select %gt3A_45, %broadcast_in_dim3A_48, %select_n3A_40 : vector<16xi1>, vector<16xi32>
        %get3A_50 = arith.constant 3 : i32
        %get3A_51 = arith.index_cast %get3A_50 : i32 to index
        %get3A_52 = arith.index_cast %mul3A_26 : i32 to index
        %get3A_53 = tpu.vector_load %arg7[%get3A_51, %get3A_52] {strides = array<i32>} : memref<8x2048xf32, #tpu.memory_space<vmem>>, vector<16xf32>,
        %gt3A_54 = arith.cmpf ogt, %get3A_53, %select_n3A_46 : vector<16xf32>
        %select_n3A_55 = arith.select %gt3A_54, %get3A_53, %select_n3A_46 : vector<16xi1>, vector<16xf32>
        %jit3A_56 = arith.constant 3 : i32
        %broadcast_in_dim3A_57 = vector.broadcast %jit3A_56 : i32 to vector<16xi32>
        %select_n3A_58 = arith.select %gt3A_54, %broadcast_in_dim3A_57, %select_n3A_49 : vector<16xi1>, vector<16xi32>
        %get3A_59 = arith.constant 4 : i32
        %get3A_60 = arith.index_cast %get3A_59 : i32 to index
        %get3A_61 = arith.index_cast %mul3A_26 : i32 to index
        %get3A_62 = tpu.vector_load %arg7[%get3A_60, %get3A_61] {strides = array<i32>} : memref<8x2048xf32, #tpu.memory_space<vmem>>, vector<16xf32>,
        %gt3A_63 = arith.cmpf ogt, %get3A_62, %select_n3A_55 : vector<16xf32>
        %select_n3A_64 = arith.select %gt3A_63, %get3A_62, %select_n3A_55 : vector<16xi1>, vector<16xf32>
        %jit3A_65 = arith.constant 4 : i32
        %broadcast_in_dim3A_66 = vector.broadcast %jit3A_65 : i32 to vector<16xi32>
        %select_n3A_67 = arith.select %gt3A_63, %broadcast_in_dim3A_66, %select_n3A_58 : vector<16xi1>, vector<16xi32>
        %get3A_68 = arith.constant 5 : i32
        %get3A_69 = arith.index_cast %get3A_68 : i32 to index
        %get3A_70 = arith.index_cast %mul3A_26 : i32 to index
        %get3A_71 = tpu.vector_load %arg7[%get3A_69, %get3A_70] {strides = array<i32>} : memref<8x2048xf32, #tpu.memory_space<vmem>>, vector<16xf32>,
        %gt3A_72 = arith.cmpf ogt, %get3A_71, %select_n3A_64 : vector<16xf32>
        %select_n3A_73 = arith.select %gt3A_72, %get3A_71, %select_n3A_64 : vector<16xi1>, vector<16xf32>
        %jit3A_74 = arith.constant 5 : i32
        %broadcast_in_dim3A_75 = vector.broadcast %jit3A_74 : i32 to vector<16xi32>
        %select_n3A_76 = arith.select %gt3A_72, %broadcast_in_dim3A_75, %select_n3A_67 : vector<16xi1>, vector<16xi32>
        %get3A_77 = arith.constant 6 : i32
        %get3A_78 = arith.index_cast %get3A_77 : i32 to index
        %get3A_79 = arith.index_cast %mul3A_26 : i32 to index
        %get3A_80 = tpu.vector_load %arg7[%get3A_78, %get3A_79] {strides = array<i32>} : memref<8x2048xf32, #tpu.memory_space<vmem>>, vector<16xf32>,
        %gt3A_81 = arith.cmpf ogt, %get3A_80, %select_n3A_73 : vector<16xf32>
        %select_n3A_82 = arith.select %gt3A_81, %get3A_80, %select_n3A_73 : vector<16xi1>, vector<16xf32>
        %jit3A_83 = arith.constant 6 : i32
        %broadcast_in_dim3A_84 = vector.broadcast %jit3A_83 : i32 to vector<16xi32>
        %select_n3A_85 = arith.select %gt3A_81, %broadcast_in_dim3A_84, %select_n3A_76 : vector<16xi1>, vector<16xi32>
        %get3A_86 = arith.constant 7 : i32
        %get3A_87 = arith.index_cast %get3A_86 : i32 to index
        %get3A_88 = arith.index_cast %mul3A_26 : i32 to index
        %get3A_89 = tpu.vector_load %arg7[%get3A_87, %get3A_88] {strides = array<i32>} : memref<8x2048xf32, #tpu.memory_space<vmem>>, vector<16xf32>,
        %gt3A_90 = arith.cmpf ogt, %get3A_89, %select_n3A_82 : vector<16xf32>
        %select_n3A_91 = arith.select %gt3A_90, %get3A_89, %select_n3A_82 : vector<16xi1>, vector<16xf32>
        %jit3A_92 = arith.constant 7 : i32
        %broadcast_in_dim3A_93 = vector.broadcast %jit3A_92 : i32 to vector<16xi32>
        %select_n3A_94 = arith.select %gt3A_90, %broadcast_in_dim3A_93, %select_n3A_85 : vector<16xi1>, vector<16xi32>
        %swap3A_95 = arith.index_cast %mul3A_26 : i32 to index
        %swap3A_96 = tpu.vector_load %arg8[%swap3A_95] {strides = array<i32>} : memref<2048xi32, #tpu.memory_space<vmem>>, vector<16xi32>,
        tpu.vector_store %arg8[%swap3A_95], %select_n3A_94 {strides = array<i32>} : memref<2048xi32, #tpu.memory_space<vmem>>, vector<16xi32>,
        %broadcast_in_dim3A_97 = arith.constant true
        %broadcast_in_dim3A_98 = vector.broadcast %broadcast_in_dim3A_97 : i1 to vector<16xi1>
        %unique3A, %unique3A_99 = tpu.scan_count mask(%broadcast_in_dim3A_98 : vector<16xi1>) value(%select_n3A_94 : vector<16xi32>) : vector<16xi1>, vector<16xi32>
        %gather3A = tpu.vector_load_idx %arg12[%select_n3A_94] : memref<16xi32, #tpu.memory_space<vmem>>[vector<16xi32>], vector<16xi32>,
        %add3A = arith.addi %gather3A, %unique3A_99 : vector<16xi32>
        %sub3A_100 = arith.constant 1 : i32
        %sub3A_101 = vector.broadcast %sub3A_100 : i32 to vector<16xi32>
        %sub3A_102 = arith.subi %add3A, %sub3A_101 : vector<16xi32>
        %swap3A_103 = arith.index_cast %mul3A_26 : i32 to index
        %swap3A_104 = tpu.vector_load %arg9[%swap3A_103] {strides = array<i32>} : memref<2048xi32, #tpu.memory_space<vmem>>, vector<16xi32>,
        tpu.vector_store %arg9[%swap3A_103], %sub3A_102 {strides = array<i32>} : memref<2048xi32, #tpu.memory_space<vmem>>, vector<16xi32>,
        %add3A_105 = arith.addi %gather3A, %unique3A_99 : vector<16xi32>
        tpu.vector_store_idx %arg12[%select_n3A_94], %add3A_105 masked %unique3A : memref<16xi32, #tpu.memory_space<vmem>>[vector<16xi32>], vector<16xi32>, vector<16xi1>
      }
      %scan3A_10 = arith.constant 128 : i32
      "tpu.region"() ({
        %run_scoped3A = tpu.sem_alloc : memref<!tpu.dma_semaphore, #tpu.memory_space<semaphore_mem>>
        tpu.enqueue_dma source(%arg8 : memref<2048xi32, #tpu.memory_space<vmem>>) target(%arg3 : memref<2048xi32, #tpu.memory_space<hbm>>) target_semaphore(%run_scoped3A : memref<!tpu.dma_semaphore, #tpu.memory_space<semaphore_mem>>)
        tpu.wait_dma2 semaphore(%run_scoped3A : memref<!tpu.dma_semaphore, #tpu.memory_space<semaphore_mem>>) src(%arg8 : memref<2048xi32, #tpu.memory_space<vmem>>) dst(%arg3 : memref<2048xi32, #tpu.memory_space<hbm>>)
        tpu.yield
      }) : () -> ()
      %get3A = arith.constant 0 : index
      %get3A_11 = tpu.vector_load %arg12[%get3A] {strides = array<i32>} : memref<16xi32, #tpu.memory_space<vmem>>, vector<16xi32>,
      %broadcast_in_dim3A_12 = arith.constant true
      %broadcast_in_dim3A_13 = vector.broadcast %broadcast_in_dim3A_12 : i1 to vector<16xi1>
      %masked_cumsum3A = tpu.scan <sum>, %get3A_11 masked %broadcast_in_dim3A_13 : vector<16xi32>, vector<16xi1> -> vector<16xi32>
      %sub3A = arith.subi %masked_cumsum3A, %get3A_11 : vector<16xi32>
      %lt3A = arith.constant 8 : i32
      %lt3A_14 = vector.broadcast %lt3A : i32 to vector<16xi32>
      %lt3A_15 = arith.cmpi slt, %iota3A, %lt3A_14 : vector<16xi32>
      %jit3A = arith.constant 2048 : i32
      %broadcast_in_dim3A_16 = vector.broadcast %jit3A : i32 to vector<16xi32>
      %select_n3A = arith.select %lt3A_15, %sub3A, %broadcast_in_dim3A_16 : vector<16xi1>, vector<16xi32>
      %swap3A_17 = arith.constant 0 : index
      %swap3A_18 = tpu.vector_load %arg11[%swap3A_17] {strides = array<i32>} : memref<16xi32, #tpu.memory_space<vmem>>, vector<16xi32>,
      tpu.vector_store %arg11[%swap3A_17], %select_n3A {strides = array<i32>} : memref<16xi32, #tpu.memory_space<vmem>>, vector<16xi32>,
      "tpu.region"() ({
        %run_scoped3A = tpu.sem_alloc : memref<!tpu.dma_semaphore, #tpu.memory_space<semaphore_mem>>
        tpu.enqueue_dma source(%arg11 : memref<16xi32, #tpu.memory_space<vmem>>) target(%arg6 : memref<16xi32, #tpu.memory_space<hbm>>) target_semaphore(%run_scoped3A : memref<!tpu.dma_semaphore, #tpu.memory_space<semaphore_mem>>)
        tpu.wait_dma2 semaphore(%run_scoped3A : memref<!tpu.dma_semaphore, #tpu.memory_space<semaphore_mem>>) src(%arg11 : memref<16xi32, #tpu.memory_space<vmem>>) dst(%arg6 : memref<16xi32, #tpu.memory_space<hbm>>)
        tpu.yield
      }) : () -> ()
      %scan3A_19 = arith.constant 0 : i32
      %scan3A_20 = arith.constant 0 : i32
      %scan3A_21 = arith.constant 128 : i32
      %scan3A_22 = arith.addi %scan3A_20, %scan3A_21 : i32
      %scan3A_23 = arith.constant 1 : i32
      scf.for %scan3A_25 = %scan3A_20 to %scan3A_22 step %scan3A_23  : i32 {
        %mul3A = arith.constant 16 : i32
        %mul3A_26 = arith.muli %scan3A_25, %mul3A : i32
        %get3A_27 = arith.index_cast %mul3A_26 : i32 to index
        %get3A_28 = tpu.vector_load %arg8[%get3A_27] {strides = array<i32>} : memref<2048xi32, #tpu.memory_space<vmem>>, vector<16xi32>,
        %gather3A = tpu.vector_load_idx %arg11[%get3A_28] : memref<16xi32, #tpu.memory_space<vmem>>[vector<16xi32>], vector<16xi32>,
        %get3A_29 = arith.index_cast %mul3A_26 : i32 to index
        %get3A_30 = tpu.vector_load %arg9[%get3A_29] {strides = array<i32>} : memref<2048xi32, #tpu.memory_space<vmem>>, vector<16xi32>,
        %add3A = arith.addi %get3A_30, %gather3A : vector<16xi32>
        %jit3A_31 = arith.constant 0 : i32
        %jit3A_32 = arith.constant 2047 : i32
        %max3A = vector.broadcast %jit3A_31 : i32 to vector<16xi32>
        %max3A_33 = arith.maxsi %max3A, %add3A : vector<16xi32>
        %min3A = vector.broadcast %jit3A_32 : i32 to vector<16xi32>
        %min3A_34 = arith.minsi %min3A, %max3A_33 : vector<16xi32>
        %swap3A_35 = arith.index_cast %mul3A_26 : i32 to index
        %swap3A_36 = tpu.vector_load %arg9[%swap3A_35] {strides = array<i32>} : memref<2048xi32, #tpu.memory_space<vmem>>, vector<16xi32>,
        tpu.vector_store %arg9[%swap3A_35], %min3A_34 {strides = array<i32>} : memref<2048xi32, #tpu.memory_space<vmem>>, vector<16xi32>,
        %mul3A_37 = arith.constant 16 : i32
        %mul3A_38 = arith.muli %scan3A_25, %mul3A_37 : i32
        %iota3A_39 = tpu.iota {dimensions = array<i32: 0>} : vector<16xi32>
        %add3A_40 = vector.broadcast %mul3A_38 : i32 to vector<16xi32>
        %add3A_41 = arith.addi %add3A_40, %iota3A_39 : vector<16xi32>
        tpu.vector_store_idx %arg10[%min3A_34], %add3A_41 : memref<2048xi32, #tpu.memory_space<vmem>>[vector<16xi32>], vector<16xi32>,
      }
      %scan3A_24 = arith.constant 128 : i32
      "tpu.region"() ({
        %run_scoped3A = tpu.sem_alloc : memref<!tpu.dma_semaphore, #tpu.memory_space<semaphore_mem>>
        tpu.enqueue_dma source(%arg9 : memref<2048xi32, #tpu.memory_space<vmem>>) target(%arg4 : memref<2048xi32, #tpu.memory_space<hbm>>) target_semaphore(%run_scoped3A : memref<!tpu.dma_semaphore, #tpu.memory_space<semaphore_mem>>)
        tpu.wait_dma2 semaphore(%run_scoped3A : memref<!tpu.dma_semaphore, #tpu.memory_space<semaphore_mem>>) src(%arg9 : memref<2048xi32, #tpu.memory_space<vmem>>) dst(%arg4 : memref<2048xi32, #tpu.memory_space<hbm>>)
        tpu.yield
      }) : () -> ()
      "tpu.region"() ({
        %run_scoped3A = tpu.sem_alloc : memref<!tpu.dma_semaphore, #tpu.memory_space<semaphore_mem>>
        tpu.enqueue_dma source(%arg10 : memref<2048xi32, #tpu.memory_space<vmem>>) target(%arg5 : memref<2048xi32, #tpu.memory_space<hbm>>) target_semaphore(%run_scoped3A : memref<!tpu.dma_semaphore, #tpu.memory_space<semaphore_mem>>)
        tpu.wait_dma2 semaphore(%run_scoped3A : memref<!tpu.dma_semaphore, #tpu.memory_space<semaphore_mem>>) src(%arg10 : memref<2048xi32, #tpu.memory_space<vmem>>) dst(%arg5 : memref<2048xi32, #tpu.memory_space<hbm>>)
        tpu.yield
      }) : () -> ()
    } else {
    }
    return
  }
}

#map = affine_map<(d0, d1) -> (0, 0)>
#map1 = affine_map<(d0, d1) -> (0)>
module attributes {stable_mosaic.version = 14 : i64} {
  func.func @_gather_rows_body(%arg0: i32, %arg1: i32, %arg2: memref<2048x768xf32, #tpu.memory_space<hbm>>, %arg3: memref<2048xi32, #tpu.memory_space<hbm>>, %arg4: memref<2048x768xf32, #tpu.memory_space<hbm>>, %arg5: memref<64xi32, #tpu.memory_space<vmem>>, %arg6: memref<64x768xf32, #tpu.memory_space<vmem>>, %arg7: memref<!tpu.dma_semaphore, #tpu.memory_space<semaphore_mem>>) attributes {dimension_semantics = [#tpu.dimension_semantics<core_parallel>, #tpu.dimension_semantics<subcore_parallel>], iteration_bounds = array<i64: 2, 16>, scalar_prefetch = 0 : i64, scratch_operands = 3 : i64, tpu.core_type = #tpu.core_type<sc_vector_subcore>, window_params = [{transform_indices = #map}, {transform_indices = #map1}, {transform_indices = #map}]} {
    %mul3A = arith.constant 2 : i32
    %mul3A_0 = arith.muli %arg1, %mul3A : i32
    %add3A = arith.addi %mul3A_0, %arg0 : i32
    %mul3A_1 = arith.constant 64 : i32
    %mul3A_2 = arith.muli %add3A, %mul3A_1 : i32
    "tpu.region"() ({
      %run_scoped3A = tpu.sem_alloc : memref<!tpu.dma_semaphore, #tpu.memory_space<semaphore_mem>>
      %dma_start3A_7 = tpu.memref_slice %arg3[%mul3A_2] : memref<2048xi32, #tpu.memory_space<hbm>> -> memref<64xi32, #tpu.memory_space<hbm>>
      %dma_start3A_8 = tpu.memref_slice %arg3[%mul3A_2] : memref<2048xi32, #tpu.memory_space<hbm>> -> memref<64xi32, #tpu.memory_space<hbm>>
      tpu.enqueue_dma source(%dma_start3A_8 : memref<64xi32, #tpu.memory_space<hbm>>) target(%arg5 : memref<64xi32, #tpu.memory_space<vmem>>) target_semaphore(%run_scoped3A : memref<!tpu.dma_semaphore, #tpu.memory_space<semaphore_mem>>)
      %dma_wait3A_9 = tpu.memref_slice %arg3[%mul3A_2] : memref<2048xi32, #tpu.memory_space<hbm>> -> memref<64xi32, #tpu.memory_space<hbm>>
      %dma_wait3A_10 = tpu.memref_slice %arg3[%mul3A_2] : memref<2048xi32, #tpu.memory_space<hbm>> -> memref<64xi32, #tpu.memory_space<hbm>>
      tpu.wait_dma2 semaphore(%run_scoped3A : memref<!tpu.dma_semaphore, #tpu.memory_space<semaphore_mem>>) src(%dma_wait3A_10 : memref<64xi32, #tpu.memory_space<hbm>>) dst(%arg5 : memref<64xi32, #tpu.memory_space<vmem>>)
      tpu.yield
    }) : () -> ()
    %dma_start3A = arith.constant 0 : i32
    %dma_start3A_3 = arith.constant 0 : i32
    %dma_start3A_4 = tpu.memref_slice %arg2[%dma_start3A, %dma_start3A_3] : memref<2048x768xf32, #tpu.memory_space<hbm>> -> memref<2048x768xf32, #tpu.memory_space<hbm>>
    tpu.enqueue_indirect_dma source(%dma_start3A_4 : memref<2048x768xf32, #tpu.memory_space<hbm>>) target(%arg6 : memref<64x768xf32, #tpu.memory_space<vmem>>) offsets(%arg5 : memref<64xi32, #tpu.memory_space<vmem>>) semaphore(%arg7 : memref<!tpu.dma_semaphore, #tpu.memory_space<semaphore_mem>>)
    %dma_wait3A = arith.constant 0 : i32
    %dma_wait3A_5 = arith.constant 0 : i32
    %dma_wait3A_6 = tpu.memref_slice %arg2[%dma_wait3A, %dma_wait3A_5] : memref<2048x768xf32, #tpu.memory_space<hbm>> -> memref<2048x768xf32, #tpu.memory_space<hbm>>
    tpu.wait_indirect_dma semaphore(%arg7 : memref<!tpu.dma_semaphore, #tpu.memory_space<semaphore_mem>>) src(%dma_wait3A_6 : memref<2048x768xf32, #tpu.memory_space<hbm>>) dst(%arg6 : memref<64x768xf32, #tpu.memory_space<vmem>>)
    "tpu.region"() ({
      %run_scoped3A = tpu.sem_alloc : memref<!tpu.dma_semaphore, #tpu.memory_space<semaphore_mem>>
      %dma_start3A_7 = arith.constant 0 : i32
      %dma_start3A_8 = tpu.memref_slice %arg4[%mul3A_2, %dma_start3A_7] : memref<2048x768xf32, #tpu.memory_space<hbm>> -> memref<64x768xf32, #tpu.memory_space<hbm>>
      %dma_start3A_9 = arith.constant 0 : i32
      %dma_start3A_10 = tpu.memref_slice %arg4[%mul3A_2, %dma_start3A_9] : memref<2048x768xf32, #tpu.memory_space<hbm>> -> memref<64x768xf32, #tpu.memory_space<hbm>>
      tpu.enqueue_dma source(%arg6 : memref<64x768xf32, #tpu.memory_space<vmem>>) target(%dma_start3A_10 : memref<64x768xf32, #tpu.memory_space<hbm>>) target_semaphore(%run_scoped3A : memref<!tpu.dma_semaphore, #tpu.memory_space<semaphore_mem>>)
      %dma_wait3A_11 = arith.constant 0 : i32
      %dma_wait3A_12 = tpu.memref_slice %arg4[%mul3A_2, %dma_wait3A_11] : memref<2048x768xf32, #tpu.memory_space<hbm>> -> memref<64x768xf32, #tpu.memory_space<hbm>>
      %dma_wait3A_13 = arith.constant 0 : i32
      %dma_wait3A_14 = tpu.memref_slice %arg4[%mul3A_2, %dma_wait3A_13] : memref<2048x768xf32, #tpu.memory_space<hbm>> -> memref<64x768xf32, #tpu.memory_space<hbm>>
      tpu.wait_dma2 semaphore(%run_scoped3A : memref<!tpu.dma_semaphore, #tpu.memory_space<semaphore_mem>>) src(%arg6 : memref<64x768xf32, #tpu.memory_space<vmem>>) dst(%dma_wait3A_14 : memref<64x768xf32, #tpu.memory_space<hbm>>)
      tpu.yield
    }) : () -> ()
    return
  }
}

#map = affine_map<(d0, d1) -> (0, 0)>
#map1 = affine_map<(d0, d1) -> (0)>
module attributes {stable_mosaic.version = 14 : i64} {
  func.func @_gather_rows_body(%arg0: i32, %arg1: i32, %arg2: memref<2048x768xf32, #tpu.memory_space<hbm>>, %arg3: memref<2048xi32, #tpu.memory_space<hbm>>, %arg4: memref<2048x768xf32, #tpu.memory_space<hbm>>, %arg5: memref<64xi32, #tpu.memory_space<vmem>>, %arg6: memref<64x768xf32, #tpu.memory_space<vmem>>, %arg7: memref<!tpu.dma_semaphore, #tpu.memory_space<semaphore_mem>>) attributes {dimension_semantics = [#tpu.dimension_semantics<core_parallel>, #tpu.dimension_semantics<subcore_parallel>], iteration_bounds = array<i64: 2, 16>, scalar_prefetch = 0 : i64, scratch_operands = 3 : i64, tpu.core_type = #tpu.core_type<sc_vector_subcore>, window_params = [{transform_indices = #map}, {transform_indices = #map1}, {transform_indices = #map}]} {
    %mul3A = arith.constant 2 : i32
    %mul3A_0 = arith.muli %arg1, %mul3A : i32
    %add3A = arith.addi %mul3A_0, %arg0 : i32
    %mul3A_1 = arith.constant 64 : i32
    %mul3A_2 = arith.muli %add3A, %mul3A_1 : i32
    "tpu.region"() ({
      %run_scoped3A = tpu.sem_alloc : memref<!tpu.dma_semaphore, #tpu.memory_space<semaphore_mem>>
      %dma_start3A_7 = tpu.memref_slice %arg3[%mul3A_2] : memref<2048xi32, #tpu.memory_space<hbm>> -> memref<64xi32, #tpu.memory_space<hbm>>
      %dma_start3A_8 = tpu.memref_slice %arg3[%mul3A_2] : memref<2048xi32, #tpu.memory_space<hbm>> -> memref<64xi32, #tpu.memory_space<hbm>>
      tpu.enqueue_dma source(%dma_start3A_8 : memref<64xi32, #tpu.memory_space<hbm>>) target(%arg5 : memref<64xi32, #tpu.memory_space<vmem>>) target_semaphore(%run_scoped3A : memref<!tpu.dma_semaphore, #tpu.memory_space<semaphore_mem>>)
      %dma_wait3A_9 = tpu.memref_slice %arg3[%mul3A_2] : memref<2048xi32, #tpu.memory_space<hbm>> -> memref<64xi32, #tpu.memory_space<hbm>>
      %dma_wait3A_10 = tpu.memref_slice %arg3[%mul3A_2] : memref<2048xi32, #tpu.memory_space<hbm>> -> memref<64xi32, #tpu.memory_space<hbm>>
      tpu.wait_dma2 semaphore(%run_scoped3A : memref<!tpu.dma_semaphore, #tpu.memory_space<semaphore_mem>>) src(%dma_wait3A_10 : memref<64xi32, #tpu.memory_space<hbm>>) dst(%arg5 : memref<64xi32, #tpu.memory_space<vmem>>)
      tpu.yield
    }) : () -> ()
    %dma_start3A = arith.constant 0 : i32
    %dma_start3A_3 = arith.constant 0 : i32
    %dma_start3A_4 = tpu.memref_slice %arg2[%dma_start3A, %dma_start3A_3] : memref<2048x768xf32, #tpu.memory_space<hbm>> -> memref<2048x768xf32, #tpu.memory_space<hbm>>
    tpu.enqueue_indirect_dma source(%dma_start3A_4 : memref<2048x768xf32, #tpu.memory_space<hbm>>) target(%arg6 : memref<64x768xf32, #tpu.memory_space<vmem>>) offsets(%arg5 : memref<64xi32, #tpu.memory_space<vmem>>) semaphore(%arg7 : memref<!tpu.dma_semaphore, #tpu.memory_space<semaphore_mem>>)
    %dma_wait3A = arith.constant 0 : i32
    %dma_wait3A_5 = arith.constant 0 : i32
    %dma_wait3A_6 = tpu.memref_slice %arg2[%dma_wait3A, %dma_wait3A_5] : memref<2048x768xf32, #tpu.memory_space<hbm>> -> memref<2048x768xf32, #tpu.memory_space<hbm>>
    tpu.wait_indirect_dma semaphore(%arg7 : memref<!tpu.dma_semaphore, #tpu.memory_space<semaphore_mem>>) src(%dma_wait3A_6 : memref<2048x768xf32, #tpu.memory_space<hbm>>) dst(%arg6 : memref<64x768xf32, #tpu.memory_space<vmem>>)
    "tpu.region"() ({
      %run_scoped3A = tpu.sem_alloc : memref<!tpu.dma_semaphore, #tpu.memory_space<semaphore_mem>>
      %dma_start3A_7 = arith.constant 0 : i32
      %dma_start3A_8 = tpu.memref_slice %arg4[%mul3A_2, %dma_start3A_7] : memref<2048x768xf32, #tpu.memory_space<hbm>> -> memref<64x768xf32, #tpu.memory_space<hbm>>
      %dma_start3A_9 = arith.constant 0 : i32
      %dma_start3A_10 = tpu.memref_slice %arg4[%mul3A_2, %dma_start3A_9] : memref<2048x768xf32, #tpu.memory_space<hbm>> -> memref<64x768xf32, #tpu.memory_space<hbm>>
      tpu.enqueue_dma source(%arg6 : memref<64x768xf32, #tpu.memory_space<vmem>>) target(%dma_start3A_10 : memref<64x768xf32, #tpu.memory_space<hbm>>) target_semaphore(%run_scoped3A : memref<!tpu.dma_semaphore, #tpu.memory_space<semaphore_mem>>)
      %dma_wait3A_11 = arith.constant 0 : i32
      %dma_wait3A_12 = tpu.memref_slice %arg4[%mul3A_2, %dma_wait3A_11] : memref<2048x768xf32, #tpu.memory_space<hbm>> -> memref<64x768xf32, #tpu.memory_space<hbm>>
      %dma_wait3A_13 = arith.constant 0 : i32
      %dma_wait3A_14 = tpu.memref_slice %arg4[%mul3A_2, %dma_wait3A_13] : memref<2048x768xf32, #tpu.memory_space<hbm>> -> memref<64x768xf32, #tpu.memory_space<hbm>>
      tpu.wait_dma2 semaphore(%run_scoped3A : memref<!tpu.dma_semaphore, #tpu.memory_space<semaphore_mem>>) src(%arg6 : memref<64x768xf32, #tpu.memory_space<vmem>>) dst(%dma_wait3A_14 : memref<64x768xf32, #tpu.memory_space<hbm>>)
      tpu.yield
    }) : () -> ()
    return
  }
}

module attributes {stable_mosaic.version = 14 : i64} {
  func.func @_ffn_body(%arg0: i32, %arg1: i32, %arg2: memref<9xi32, #tpu.memory_space<smem>>, %arg3: memref<2048x768xf32, #tpu.memory_space<vmem>>, %arg4: memref<1x768x1536xf32, #tpu.memory_space<vmem>>, %arg5: memref<1x1x1536xf32, #tpu.memory_space<vmem>>, %arg6: memref<1x768x1536xf32, #tpu.memory_space<vmem>>, %arg7: memref<1x1x1536xf32, #tpu.memory_space<vmem>>, %arg8: memref<1x1536x768xf32, #tpu.memory_space<vmem>>, %arg9: memref<1x1x768xf32, #tpu.memory_space<vmem>>, %arg10: memref<2048x768xf32, #tpu.memory_space<vmem>>) attributes {dimension_semantics = [#tpu.dimension_semantics<arbitrary>, #tpu.dimension_semantics<arbitrary>], iteration_bounds = array<i64: 8, 2>, scalar_prefetch = 1 : i64, scratch_operands = 0 : i64, tpu.core_type = #tpu.core_type<tc>, window_params = [{pipeline_mode = #tpu.pipeline_mode<synchronous>, transform_indices = @transform_0, window_bounds = array<i64: 2048, 768>}, {transform_indices = @transform_1, window_bounds = array<i64: 1, 768, 1536>}, {transform_indices = @transform_2, window_bounds = array<i64: 1, 1, 1536>}, {transform_indices = @transform_3, window_bounds = array<i64: 1, 768, 1536>}, {transform_indices = @transform_4, window_bounds = array<i64: 1, 1, 1536>}, {transform_indices = @transform_5, window_bounds = array<i64: 1, 1536, 768>}, {transform_indices = @transform_6, window_bounds = array<i64: 1, 1, 768>}, {pipeline_mode = #tpu.pipeline_mode<synchronous>, transform_indices = @transform_7, window_bounds = array<i64: 2048, 768>}]} {
    %get3A = arith.index_cast %arg0 : i32 to index
    %get3A_0 = memref.load %arg2[%get3A] : memref<9xi32, #tpu.memory_space<smem>>
    %add3A = arith.constant 1 : i32
    %add3A_1 = arith.addi %arg0, %add3A : i32
    %get3A_2 = arith.index_cast %add3A_1 : i32 to index
    %get3A_3 = memref.load %arg2[%get3A_2] : memref<9xi32, #tpu.memory_space<smem>>
    %jit3A = arith.constant 8 : i32
    %div3A = arith.divsi %get3A_0, %jit3A : i32
    %sign3A = arith.constant 0 : i32
    %sign3A_4 = arith.cmpi sgt, %get3A_0, %sign3A : i32
    %sign3A_5 = arith.extui %sign3A_4 : i1 to i32
    %sign3A_6 = arith.constant 0 : i32
    %sign3A_7 = arith.cmpi slt, %get3A_0, %sign3A_6 : i32
    %sign3A_8 = arith.extui %sign3A_7 : i1 to i32
    %sign3A_9 = arith.subi %sign3A_5, %sign3A_8 : i32
    %sign3A_10 = arith.constant 0 : i32
    %sign3A_11 = arith.cmpi sgt, %jit3A, %sign3A_10 : i32
    %sign3A_12 = arith.extui %sign3A_11 : i1 to i32
    %sign3A_13 = arith.constant 0 : i32
    %sign3A_14 = arith.cmpi slt, %jit3A, %sign3A_13 : i32
    %sign3A_15 = arith.extui %sign3A_14 : i1 to i32
    %sign3A_16 = arith.subi %sign3A_12, %sign3A_15 : i32
    %ne3A = arith.cmpi ne, %sign3A_9, %sign3A_16 : i32
    %rem3A = arith.remsi %get3A_0, %jit3A : i32
    %ne3A_17 = arith.constant 0 : i32
    %ne3A_18 = arith.cmpi ne, %rem3A, %ne3A_17 : i32
    %and3A = arith.andi %ne3A, %ne3A_18 : i1
    %sub3A = arith.constant 1 : i32
    %sub3A_19 = arith.subi %div3A, %sub3A : i32
    %select_n3A = arith.select %and3A, %sub3A_19, %div3A : i32
    %mul3A = arith.constant 8 : i32
    %mul3A_20 = arith.muli %select_n3A, %mul3A : i32
    %sub3A_21 = arith.subi %get3A_3, %mul3A_20 : i32
    %add3A_22 = arith.constant 127 : i32
    %add3A_23 = arith.addi %sub3A_21, %add3A_22 : i32
    %div3A_24 = arith.constant 128 : i32
    %div3A_25 = arith.divsi %add3A_23, %div3A_24 : i32
    %while3A = arith.constant 0 : i32
    %while3A_26 = arith.constant 0 : i32
    %while3A_27 = arith.subi %div3A_25, %while3A : i32
    %while3A_28 = arith.addi %while3A, %while3A_27 : i32
    %while3A_29 = arith.constant 1 : i32
    %while3A_30 = arith.divsi %while3A_27, %while3A_29 : i32
    %while3A_31 = arith.muli %while3A_30, %while3A_29 : i32
    %while3A_32 = arith.addi %while3A, %while3A_31 : i32
    %while3A_33 = arith.constant 1 : i32
    %while3A_34 = scf.for %while3A_37 = %while3A to %while3A_32 step %while3A_33 iter_args(%while3A_38 = %while3A_26) -> (i32)  : i32 {
      %mul3A_39 = arith.constant 128 : i32
      %mul3A_40 = arith.muli %while3A_37, %mul3A_39 : i32
      %add3A_41 = arith.addi %mul3A_20, %mul3A_40 : i32
      %min3A = arith.constant 1920 : i32
      %min3A_42 = arith.minsi %add3A_41, %min3A : i32
      %get3A_43 = arith.index_cast %min3A_42 : i32 to index
      %get3A_44 = arith.constant 0 : index
      %get3A_45 = vector.load %arg3[%get3A_43, %get3A_44] : memref<2048x768xf32, #tpu.memory_space<vmem>>, vector<128x768xf32>
      %get3A_46 = arith.constant 0 : index
      %get3A_47 = arith.constant 0 : index
      %get3A_48 = arith.constant 0 : index
      %get3A_49 = vector.load %arg4[%get3A_46, %get3A_47, %get3A_48] : memref<1x768x1536xf32, #tpu.memory_space<vmem>>, vector<1x768x1536xf32>
      %get3A_50 = vector.shape_cast %get3A_49 : vector<1x768x1536xf32> to vector<768x1536xf32>
      %dot_general3A = arith.constant dense<0.000000e+00> : vector<128x1536xf32>
      %dot_general3A_51 = tpu.matmul %get3A_45, %get3A_50, %dot_general3A {dimension_numbers = #tpu.dot_dimension_numbers<[1], [0], [0], [1], [0, 0, 1, 1], [], []>, transpose_lhs_hint = false} : vector<128x768xf32>, vector<768x1536xf32>, vector<128x1536xf32> -> vector<128x1536xf32>
      %get3A_52 = arith.constant 0 : index
      %get3A_53 = arith.constant 0 : index
      %get3A_54 = arith.constant 0 : index
      %get3A_55 = vector.load %arg5[%get3A_52, %get3A_53, %get3A_54] : memref<1x1x1536xf32, #tpu.memory_space<vmem>>, vector<1x1x1536xf32>
      %get3A_56 = vector.shape_cast %get3A_55 : vector<1x1x1536xf32> to vector<1x1536xf32>
      %add3A_57 = vector.broadcast %get3A_56 : vector<1x1536xf32> to vector<128x1536xf32>
      %add3A_58 = arith.addf %dot_general3A_51, %add3A_57 : vector<128x1536xf32>
      %get3A_59 = arith.constant 0 : index
      %get3A_60 = arith.constant 0 : index
      %get3A_61 = arith.constant 0 : index
      %get3A_62 = vector.load %arg6[%get3A_59, %get3A_60, %get3A_61] : memref<1x768x1536xf32, #tpu.memory_space<vmem>>, vector<1x768x1536xf32>
      %get3A_63 = vector.shape_cast %get3A_62 : vector<1x768x1536xf32> to vector<768x1536xf32>
      %dot_general3A_64 = arith.constant dense<0.000000e+00> : vector<128x1536xf32>
      %dot_general3A_65 = tpu.matmul %get3A_45, %get3A_63, %dot_general3A_64 {dimension_numbers = #tpu.dot_dimension_numbers<[1], [0], [0], [1], [0, 0, 1, 1], [], []>, transpose_lhs_hint = false} : vector<128x768xf32>, vector<768x1536xf32>, vector<128x1536xf32> -> vector<128x1536xf32>
      %get3A_66 = arith.constant 0 : index
      %get3A_67 = arith.constant 0 : index
      %get3A_68 = arith.constant 0 : index
      %get3A_69 = vector.load %arg7[%get3A_66, %get3A_67, %get3A_68] : memref<1x1x1536xf32, #tpu.memory_space<vmem>>, vector<1x1x1536xf32>
      %get3A_70 = vector.shape_cast %get3A_69 : vector<1x1x1536xf32> to vector<1x1536xf32>
      %add3A_71 = vector.broadcast %get3A_70 : vector<1x1536xf32> to vector<128x1536xf32>
      %add3A_72 = arith.addf %dot_general3A_65, %add3A_71 : vector<128x1536xf32>
      %logistic3A = arith.negf %add3A_72 : vector<128x1536xf32>
      %logistic3A_73 = math.exp %logistic3A : vector<128x1536xf32>
      %logistic3A_74 = arith.constant 1.000000e+00 : f32
      %logistic3A_75 = vector.broadcast %logistic3A_74 : f32 to vector<128x1536xf32>
      %logistic3A_76 = arith.addf %logistic3A_75, %logistic3A_73 : vector<128x1536xf32>
      %logistic3A_77 = arith.divf %logistic3A_75, %logistic3A_76 : vector<128x1536xf32>
      %mul3A_78 = arith.mulf %add3A_72, %logistic3A_77 : vector<128x1536xf32>
      %mul3A_79 = arith.mulf %add3A_58, %mul3A_78 : vector<128x1536xf32>
      %get3A_80 = arith.constant 0 : index
      %get3A_81 = arith.constant 0 : index
      %get3A_82 = arith.constant 0 : index
      %get3A_83 = vector.load %arg8[%get3A_80, %get3A_81, %get3A_82] : memref<1x1536x768xf32, #tpu.memory_space<vmem>>, vector<1x1536x768xf32>
      %get3A_84 = vector.shape_cast %get3A_83 : vector<1x1536x768xf32> to vector<1536x768xf32>
      %dot_general3A_85 = arith.constant dense<0.000000e+00> : vector<128x768xf32>
      %dot_general3A_86 = tpu.matmul %mul3A_79, %get3A_84, %dot_general3A_85 {dimension_numbers = #tpu.dot_dimension_numbers<[1], [0], [0], [1], [0, 0, 1, 1], [], []>, transpose_lhs_hint = false} : vector<128x1536xf32>, vector<1536x768xf32>, vector<128x768xf32> -> vector<128x768xf32>
      %iota3A = tpu.iota {dimensions = array<i32: 0>} : vector<128x1xi32>
      %add3A_87 = vector.broadcast %min3A_42 : i32 to vector<128x1xi32>
      %add3A_88 = arith.addi %add3A_87, %iota3A : vector<128x1xi32>
      %max3A = arith.maxsi %get3A_0, %add3A_41 : i32
      %ge3A = vector.broadcast %max3A : i32 to vector<128x1xi32>
      %ge3A_89 = arith.cmpi sge, %add3A_88, %ge3A : vector<128x1xi32>
      %lt3A = vector.broadcast %get3A_3 : i32 to vector<128x1xi32>
      %lt3A_90 = arith.cmpi slt, %add3A_88, %lt3A : vector<128x1xi32>
      %and3A_91 = arith.andi %ge3A_89, %lt3A_90 : vector<128x1xi1>
      %get3A_92 = arith.index_cast %min3A_42 : i32 to index
      %get3A_93 = arith.constant 0 : index
      %get3A_94 = vector.load %arg10[%get3A_92, %get3A_93] : memref<2048x768xf32, #tpu.memory_space<vmem>>, vector<128x768xf32>
      %eq3A = arith.constant 0 : i32
      %eq3A_95 = arith.cmpi eq, %arg1, %eq3A : i32
      %convert_element_type3A = arith.extui %eq3A_95 : i1 to i32
      %cond3A = arith.constant 0 : i32
      %cond3A_96 = arith.cmpi ne, %convert_element_type3A, %cond3A : i32
      scf.if %cond3A_96 {
        %get3A_103 = arith.constant 0 : index
        %get3A_104 = arith.constant 0 : index
        %get3A_105 = arith.constant 0 : index
        %get3A_106 = vector.load %arg9[%get3A_103, %get3A_104, %get3A_105] : memref<1x1x768xf32, #tpu.memory_space<vmem>>, vector<1x1x768xf32>
        %get3A_107 = vector.shape_cast %get3A_106 : vector<1x1x768xf32> to vector<1x768xf32>
        %add3A_108 = vector.broadcast %get3A_107 : vector<1x768xf32> to vector<128x768xf32>
        %add3A_109 = arith.addf %dot_general3A_86, %add3A_108 : vector<128x768xf32>
        %broadcast_in_dim3A = vector.shape_cast %and3A_91 : vector<128x1xi1> to vector<128x1xi1>
        %broadcast_in_dim3A_110 = vector.broadcast %broadcast_in_dim3A : vector<128x1xi1> to vector<128x768xi1>
        %select_n3A_111 = arith.select %broadcast_in_dim3A_110, %add3A_109, %get3A_94 : vector<128x768xi1>, vector<128x768xf32>
        %swap3A = arith.index_cast %min3A_42 : i32 to index
        %swap3A_112 = arith.constant 0 : index
        %swap3A_113 = vector.load %arg10[%swap3A, %swap3A_112] : memref<2048x768xf32, #tpu.memory_space<vmem>>, vector<128x768xf32>
        tpu.vector_store %arg10[%swap3A, %swap3A_112], %select_n3A_111 {strides = array<i32>} : memref<2048x768xf32, #tpu.memory_space<vmem>>, vector<128x768xf32>,
      } else {
      }
      %ne3A_97 = arith.constant 0 : i32
      %ne3A_98 = arith.cmpi ne, %arg1, %ne3A_97 : i32
      %convert_element_type3A_99 = arith.extui %ne3A_98 : i1 to i32
      %cond3A_100 = arith.constant 0 : i32
      %cond3A_101 = arith.cmpi ne, %convert_element_type3A_99, %cond3A_100 : i32
      scf.if %cond3A_101 {
        %jit3A_103 = arith.constant 0.000000e+00 : f32
        %broadcast_in_dim3A = vector.shape_cast %and3A_91 : vector<128x1xi1> to vector<128x1xi1>
        %broadcast_in_dim3A_104 = vector.broadcast %broadcast_in_dim3A : vector<128x1xi1> to vector<128x768xi1>
        %broadcast_in_dim3A_105 = vector.broadcast %jit3A_103 : f32 to vector<128x768xf32>
        %select_n3A_106 = arith.select %broadcast_in_dim3A_104, %dot_general3A_86, %broadcast_in_dim3A_105 : vector<128x768xi1>, vector<128x768xf32>
        %add3A_107 = arith.addf %get3A_94, %select_n3A_106 : vector<128x768xf32>
        %swap3A = arith.index_cast %min3A_42 : i32 to index
        %swap3A_108 = arith.constant 0 : index
        %swap3A_109 = vector.load %arg10[%swap3A, %swap3A_108] : memref<2048x768xf32, #tpu.memory_space<vmem>>, vector<128x768xf32>
        tpu.vector_store %arg10[%swap3A, %swap3A_108], %add3A_107 {strides = array<i32>} : memref<2048x768xf32, #tpu.memory_space<vmem>>, vector<128x768xf32>,
      } else {
      }
      %while3A_102 = arith.constant 0 : i32
      scf.yield %while3A_102 : i32
    }
    %while3A_35 = arith.constant 1 : i32
    %while3A_36 = scf.for %while3A_37 = %while3A_32 to %while3A_28 step %while3A_35 iter_args(%while3A_38 = %while3A_34) -> (i32)  : i32 {
      %mul3A_39 = arith.constant 128 : i32
      %mul3A_40 = arith.muli %while3A_37, %mul3A_39 : i32
      %add3A_41 = arith.addi %mul3A_20, %mul3A_40 : i32
      %min3A = arith.constant 1920 : i32
      %min3A_42 = arith.minsi %add3A_41, %min3A : i32
      %get3A_43 = arith.index_cast %min3A_42 : i32 to index
      %get3A_44 = arith.constant 0 : index
      %get3A_45 = vector.load %arg3[%get3A_43, %get3A_44] : memref<2048x768xf32, #tpu.memory_space<vmem>>, vector<128x768xf32>
      %get3A_46 = arith.constant 0 : index
      %get3A_47 = arith.constant 0 : index
      %get3A_48 = arith.constant 0 : index
      %get3A_49 = vector.load %arg4[%get3A_46, %get3A_47, %get3A_48] : memref<1x768x1536xf32, #tpu.memory_space<vmem>>, vector<1x768x1536xf32>
      %get3A_50 = vector.shape_cast %get3A_49 : vector<1x768x1536xf32> to vector<768x1536xf32>
      %dot_general3A = arith.constant dense<0.000000e+00> : vector<128x1536xf32>
      %dot_general3A_51 = tpu.matmul %get3A_45, %get3A_50, %dot_general3A {dimension_numbers = #tpu.dot_dimension_numbers<[1], [0], [0], [1], [0, 0, 1, 1], [], []>, transpose_lhs_hint = false} : vector<128x768xf32>, vector<768x1536xf32>, vector<128x1536xf32> -> vector<128x1536xf32>
      %get3A_52 = arith.constant 0 : index
      %get3A_53 = arith.constant 0 : index
      %get3A_54 = arith.constant 0 : index
      %get3A_55 = vector.load %arg5[%get3A_52, %get3A_53, %get3A_54] : memref<1x1x1536xf32, #tpu.memory_space<vmem>>, vector<1x1x1536xf32>
      %get3A_56 = vector.shape_cast %get3A_55 : vector<1x1x1536xf32> to vector<1x1536xf32>
      %add3A_57 = vector.broadcast %get3A_56 : vector<1x1536xf32> to vector<128x1536xf32>
      %add3A_58 = arith.addf %dot_general3A_51, %add3A_57 : vector<128x1536xf32>
      %get3A_59 = arith.constant 0 : index
      %get3A_60 = arith.constant 0 : index
      %get3A_61 = arith.constant 0 : index
      %get3A_62 = vector.load %arg6[%get3A_59, %get3A_60, %get3A_61] : memref<1x768x1536xf32, #tpu.memory_space<vmem>>, vector<1x768x1536xf32>
      %get3A_63 = vector.shape_cast %get3A_62 : vector<1x768x1536xf32> to vector<768x1536xf32>
      %dot_general3A_64 = arith.constant dense<0.000000e+00> : vector<128x1536xf32>
      %dot_general3A_65 = tpu.matmul %get3A_45, %get3A_63, %dot_general3A_64 {dimension_numbers = #tpu.dot_dimension_numbers<[1], [0], [0], [1], [0, 0, 1, 1], [], []>, transpose_lhs_hint = false} : vector<128x768xf32>, vector<768x1536xf32>, vector<128x1536xf32> -> vector<128x1536xf32>
      %get3A_66 = arith.constant 0 : index
      %get3A_67 = arith.constant 0 : index
      %get3A_68 = arith.constant 0 : index
      %get3A_69 = vector.load %arg7[%get3A_66, %get3A_67, %get3A_68] : memref<1x1x1536xf32, #tpu.memory_space<vmem>>, vector<1x1x1536xf32>
      %get3A_70 = vector.shape_cast %get3A_69 : vector<1x1x1536xf32> to vector<1x1536xf32>
      %add3A_71 = vector.broadcast %get3A_70 : vector<1x1536xf32> to vector<128x1536xf32>
      %add3A_72 = arith.addf %dot_general3A_65, %add3A_71 : vector<128x1536xf32>
      %logistic3A = arith.negf %add3A_72 : vector<128x1536xf32>
      %logistic3A_73 = math.exp %logistic3A : vector<128x1536xf32>
      %logistic3A_74 = arith.constant 1.000000e+00 : f32
      %logistic3A_75 = vector.broadcast %logistic3A_74 : f32 to vector<128x1536xf32>
      %logistic3A_76 = arith.addf %logistic3A_75, %logistic3A_73 : vector<128x1536xf32>
      %logistic3A_77 = arith.divf %logistic3A_75, %logistic3A_76 : vector<128x1536xf32>
      %mul3A_78 = arith.mulf %add3A_72, %logistic3A_77 : vector<128x1536xf32>
      %mul3A_79 = arith.mulf %add3A_58, %mul3A_78 : vector<128x1536xf32>
      %get3A_80 = arith.constant 0 : index
      %get3A_81 = arith.constant 0 : index
      %get3A_82 = arith.constant 0 : index
      %get3A_83 = vector.load %arg8[%get3A_80, %get3A_81, %get3A_82] : memref<1x1536x768xf32, #tpu.memory_space<vmem>>, vector<1x1536x768xf32>
      %get3A_84 = vector.shape_cast %get3A_83 : vector<1x1536x768xf32> to vector<1536x768xf32>
      %dot_general3A_85 = arith.constant dense<0.000000e+00> : vector<128x768xf32>
      %dot_general3A_86 = tpu.matmul %mul3A_79, %get3A_84, %dot_general3A_85 {dimension_numbers = #tpu.dot_dimension_numbers<[1], [0], [0], [1], [0, 0, 1, 1], [], []>, transpose_lhs_hint = false} : vector<128x1536xf32>, vector<1536x768xf32>, vector<128x768xf32> -> vector<128x768xf32>
      %iota3A = tpu.iota {dimensions = array<i32: 0>} : vector<128x1xi32>
      %add3A_87 = vector.broadcast %min3A_42 : i32 to vector<128x1xi32>
      %add3A_88 = arith.addi %add3A_87, %iota3A : vector<128x1xi32>
      %max3A = arith.maxsi %get3A_0, %add3A_41 : i32
      %ge3A = vector.broadcast %max3A : i32 to vector<128x1xi32>
      %ge3A_89 = arith.cmpi sge, %add3A_88, %ge3A : vector<128x1xi32>
      %lt3A = vector.broadcast %get3A_3 : i32 to vector<128x1xi32>
      %lt3A_90 = arith.cmpi slt, %add3A_88, %lt3A : vector<128x1xi32>
      %and3A_91 = arith.andi %ge3A_89, %lt3A_90 : vector<128x1xi1>
      %get3A_92 = arith.index_cast %min3A_42 : i32 to index
      %get3A_93 = arith.constant 0 : index
      %get3A_94 = vector.load %arg10[%get3A_92, %get3A_93] : memref<2048x768xf32, #tpu.memory_space<vmem>>, vector<128x768xf32>
      %eq3A = arith.constant 0 : i32
      %eq3A_95 = arith.cmpi eq, %arg1, %eq3A : i32
      %convert_element_type3A = arith.extui %eq3A_95 : i1 to i32
      %cond3A = arith.constant 0 : i32
      %cond3A_96 = arith.cmpi ne, %convert_element_type3A, %cond3A : i32
      scf.if %cond3A_96 {
        %get3A_103 = arith.constant 0 : index
        %get3A_104 = arith.constant 0 : index
        %get3A_105 = arith.constant 0 : index
        %get3A_106 = vector.load %arg9[%get3A_103, %get3A_104, %get3A_105] : memref<1x1x768xf32, #tpu.memory_space<vmem>>, vector<1x1x768xf32>
        %get3A_107 = vector.shape_cast %get3A_106 : vector<1x1x768xf32> to vector<1x768xf32>
        %add3A_108 = vector.broadcast %get3A_107 : vector<1x768xf32> to vector<128x768xf32>
        %add3A_109 = arith.addf %dot_general3A_86, %add3A_108 : vector<128x768xf32>
        %broadcast_in_dim3A = vector.shape_cast %and3A_91 : vector<128x1xi1> to vector<128x1xi1>
        %broadcast_in_dim3A_110 = vector.broadcast %broadcast_in_dim3A : vector<128x1xi1> to vector<128x768xi1>
        %select_n3A_111 = arith.select %broadcast_in_dim3A_110, %add3A_109, %get3A_94 : vector<128x768xi1>, vector<128x768xf32>
        %swap3A = arith.index_cast %min3A_42 : i32 to index
        %swap3A_112 = arith.constant 0 : index
        %swap3A_113 = vector.load %arg10[%swap3A, %swap3A_112] : memref<2048x768xf32, #tpu.memory_space<vmem>>, vector<128x768xf32>
        tpu.vector_store %arg10[%swap3A, %swap3A_112], %select_n3A_111 {strides = array<i32>} : memref<2048x768xf32, #tpu.memory_space<vmem>>, vector<128x768xf32>,
      } else {
      }
      %ne3A_97 = arith.constant 0 : i32
      %ne3A_98 = arith.cmpi ne, %arg1, %ne3A_97 : i32
      %convert_element_type3A_99 = arith.extui %ne3A_98 : i1 to i32
      %cond3A_100 = arith.constant 0 : i32
      %cond3A_101 = arith.cmpi ne, %convert_element_type3A_99, %cond3A_100 : i32
      scf.if %cond3A_101 {
        %jit3A_103 = arith.constant 0.000000e+00 : f32
        %broadcast_in_dim3A = vector.shape_cast %and3A_91 : vector<128x1xi1> to vector<128x1xi1>
        %broadcast_in_dim3A_104 = vector.broadcast %broadcast_in_dim3A : vector<128x1xi1> to vector<128x768xi1>
        %broadcast_in_dim3A_105 = vector.broadcast %jit3A_103 : f32 to vector<128x768xf32>
        %select_n3A_106 = arith.select %broadcast_in_dim3A_104, %dot_general3A_86, %broadcast_in_dim3A_105 : vector<128x768xi1>, vector<128x768xf32>
        %add3A_107 = arith.addf %get3A_94, %select_n3A_106 : vector<128x768xf32>
        %swap3A = arith.index_cast %min3A_42 : i32 to index
        %swap3A_108 = arith.constant 0 : index
        %swap3A_109 = vector.load %arg10[%swap3A, %swap3A_108] : memref<2048x768xf32, #tpu.memory_space<vmem>>, vector<128x768xf32>
        tpu.vector_store %arg10[%swap3A, %swap3A_108], %add3A_107 {strides = array<i32>} : memref<2048x768xf32, #tpu.memory_space<vmem>>, vector<128x768xf32>,
      } else {
      }
      %while3A_102 = arith.constant 0 : i32
      scf.yield %while3A_102 : i32
    }
    return
  }
  func.func @transform_0(%arg0: i32, %arg1: i32, %arg2: memref<9xi32, #tpu.memory_space<smem>>) -> (i32, i32) {
    %c0_i32 = arith.constant 0 : i32
    %c0_i32_0 = arith.constant 0 : i32
    %c0_i32_1 = arith.constant 0 : i32
    return %c0_i32, %c0_i32_0 : i32, i32
  }
  func.func @transform_1(%arg0: i32, %arg1: i32, %arg2: memref<9xi32, #tpu.memory_space<smem>>) -> (i32, i32, i32) {
    %c0_i32 = arith.constant 0 : i32
    %c0_i32_0 = arith.constant 0 : i32
    return %arg0, %c0_i32, %arg1 : i32, i32, i32
  }
  func.func @transform_2(%arg0: i32, %arg1: i32, %arg2: memref<9xi32, #tpu.memory_space<smem>>) -> (i32, i32, i32) {
    %c0_i32 = arith.constant 0 : i32
    %c0_i32_0 = arith.constant 0 : i32
    return %arg0, %c0_i32, %arg1 : i32, i32, i32
  }
  func.func @transform_3(%arg0: i32, %arg1: i32, %arg2: memref<9xi32, #tpu.memory_space<smem>>) -> (i32, i32, i32) {
    %c0_i32 = arith.constant 0 : i32
    %c0_i32_0 = arith.constant 0 : i32
    return %arg0, %c0_i32, %arg1 : i32, i32, i32
  }
  func.func @transform_4(%arg0: i32, %arg1: i32, %arg2: memref<9xi32, #tpu.memory_space<smem>>) -> (i32, i32, i32) {
    %c0_i32 = arith.constant 0 : i32
    %c0_i32_0 = arith.constant 0 : i32
    return %arg0, %c0_i32, %arg1 : i32, i32, i32
  }
  func.func @transform_5(%arg0: i32, %arg1: i32, %arg2: memref<9xi32, #tpu.memory_space<smem>>) -> (i32, i32, i32) {
    %c0_i32 = arith.constant 0 : i32
    %c0_i32_0 = arith.constant 0 : i32
    return %arg0, %arg1, %c0_i32 : i32, i32, i32
  }
  func.func @transform_6(%arg0: i32, %arg1: i32, %arg2: memref<9xi32, #tpu.memory_space<smem>>) -> (i32, i32, i32) {
    %c0_i32 = arith.constant 0 : i32
    %c0_i32_0 = arith.constant 0 : i32
    %c0_i32_1 = arith.constant 0 : i32
    return %arg0, %c0_i32, %c0_i32_0 : i32, i32, i32
  }
  func.func @transform_7(%arg0: i32, %arg1: i32, %arg2: memref<9xi32, #tpu.memory_space<smem>>) -> (i32, i32) {
    %c0_i32 = arith.constant 0 : i32
    %c0_i32_0 = arith.constant 0 : i32
    %c0_i32_1 = arith.constant 0 : i32
    return %c0_i32, %c0_i32_0 : i32, i32
  }
}

</mosaic_0001>

<sc_bundles>
// kernel: kernel.12.cloned.1.call-start
scs
__scs_entry_jumppad:
0x0: {  	(pc) =	sbr.rel $0x88, $3  }
0x1: {  	(tag) =	ssettag $0x0;
	lr =	simm.s32 $0x1  }
0x2: {  	[smem:$0x3F97] =	sst lr;
	_ =	strace $0xD0000000  }
0x3: {  	_ = 	snop  }
0x4: {  	_ = 	snop  }
0x5: {  	_ = 	snop  }
0x6: {  	_ = 	snop  }
0x7: {  	_ = 	snop  }
__scs_overlays_trampoline_lowered:
0x8: {  	[smem:$0x3FA6] =	sst s0  }
0x9: {  	[smem:$0x3FA7] =	sst s1  }
0xa: {  	[smem:$0x3FA8] =	sst s2  }
0xb: {  	[smem:$0x3FA9] =	sst s3  }
0xc: {  	[smem:$0x3FAA] =	sst s4  }
0xd: {  	[smem:$0x3FAB] =	sst s5  }
0xe: {  	[smem:$0x3FAC] =	sst s6  }
0xf: {  	[smem:$0x3FAD] =	sst s7  }
0x10: {  	[smem:$0x3FAE] =	sst s8  }
0x11: {  	[smem:$0x3FAF] =	sst s9;
	s0 =	simm.s32 @!p0 $0x0  }
0x12: {  	s1 =	sld [smem:$0x3F95];
	s0 =	simm.s32 @p0 $0x1  }
0x13: {  	[smem:$0x3FB0] =	sst s0;
	s0 =	simm.s32 @!p1 $0x0  }
0x14: {  	s2 =	sld [smem:$0x3F94];
	s0 =	simm.s32 @p1 $0x1  }
0x15: {  	[smem:$0x3FB1] =	sst s0;
	s0 =	simm.s32 @!p2 $0x0  }
0x16: {  	s3 =	sld [smem:$0x3FDB];
	s0 =	simm.s32 @p2 $0x1  }
0x17: {  	s4 =	simm.s32 $0x1BF5;
	[smem:$0x3FB3] =	sst s0  }
0x18: {  	s0 =	sld [smem:$0x3F96];
	_ =	swait.ge [sflag:s4], $0x0  }
0x19: {  	s7 =	sld [smem:$0x3F97]  }
0x1a: {  	s8 =	sadd.s32 $0xFFFFE003, lr  }
0x1b: {  	s9 =	sadd.s32 $0xFFFFFEF7, lr;
	s5 =	simm.s32 $0xFFFFFFFF;
	p2 =	slt.u32 s8, $0xFFFFF086  }
0x1c: {  	p1 =	slt.u32 s9, $0xF7A;
	s5 =	simm.s32 @!p2 $0x0  }
0x1d: {  	s5 =	simm.s32 @p1 $0x1;
	p0 =	seq.s32 s7, s2  }
0x1e: {  	s7 =	smul.u32 @!p0 $0xF7A, s2;
	p2 =	seq.s32 @!p0 s5, $0x0  }
0x1f: {  	s9 =	smul.u32 $0xF7A, s1;
	s8 =	simm.s32 @!p0 $0x1BF5;
	p2 =	por !p2, p0  }
0x20: {  	[sflag:s8] =	ssyncset.s32 @!p0 $0xFFFFF086;
	s6 =	sadd.s32 @!p0 s3, s7;
	s7 =	simm.s32 @!p0 $0x108  }
0x21: {  	s3 =	sadd.s32 s3, s9;
	s6 =	sadd.s32 @!p0 $0x88, s6;
	s7 =	simm.s32 @p2 $0x1082  }
0x22: {  	[simem:s7], [sflag:s8] =	dma.local @!p0 [hbm:s6], $0xF7A  }
0x23: {  	s9 =	sor.u32 $0xD0000000, s2;
	s6 =	simm.s32 $0x108;
	_ =	swait.ge @!p0 [sflag:s8], $0x0  }
0x24: {  	s3 =	sadd.s32 $0x88, s3;
	s6 =	simm.s32 @!p1 $0x1082;
	[sflag:s4] =	ssyncset.s32 $0xFFFFF086  }
0x25: {  	[simem:s6], [sflag:s4] =	dma.local [hbm:s3], $0xF7A  }
0x26: {  	[smem:$0x3F97] =	sst s1;
	(tag) =	ssettag s2;
	_ =	strace s9  }
0x27: {  	s1 =	sld [smem:$0x3FA7]  }
0x28: {  	s2 =	sld [smem:$0x3FA8]  }
0x29: {  	s4 =	sld [smem:$0x3FAA]  }
0x2a: {  	p0 =	seq.s32 s5, $0x0;
	s5 =	sld [smem:$0x3FAB]  }
0x2b: {  	s6 =	sld [smem:$0x3FAC]  }
0x2c: {  	s7 =	sld [smem:$0x3FAD]  }
0x2d: {  	s3 =	simm.s32 $0x108;
	s8 =	sld [smem:$0x3FAE]  }
0x2e: {  	s3 =	simm.s32 @!p0 $0x1082;
	s9 =	sld [smem:$0x3FAF]  }
0x2f: {  	lr =	sadd.s32 s0, s3;
	s0 =	sld [smem:$0x3FA6]  }
0x30: {  	s3 =	sld [smem:$0x3FA9]  }
0x31: {  	[smem:$0x3FB2] =	sst s10  }
0x32: {  	s10 =	sld [smem:$0x3FB0];
	_ =	sdelay $0x3  }
0x33: {  	p0 =	seq.s32 s10, $0x1;
	s10 =	sld [smem:$0x3FB2];
	_ =	sdelay $0x3  }
0x34: {  	[smem:$0x3FB2] =	sst s10  }
0x35: {  	s10 =	sld [smem:$0x3FB1];
	_ =	sdelay $0x3  }
0x36: {  	p1 =	seq.s32 s10, $0x1;
	s10 =	sld [smem:$0x3FB2];
	_ =	sdelay $0x3  }
0x37: {  	[smem:$0x3FB2] =	sst s10  }
0x38: {  	s10 =	sld [smem:$0x3FB3]  }
0x39: {  	_ = 	snop;
	(pc) =	sbr.ind lr, $3  }
0x3a: {  	_ = 	snop  }
0x3b: {  	_ = 	snop  }
0x3c: {  	p2 =	seq.s32 s10, $0x1;
	s10 =	sld [smem:$0x3FB2]  }
0x3d: {  	_ =	shalt  }
0x3e: {  	_ =	shalt  }
0x3f: {  	_ =	shalt  }
0x40: {  	_ =	shalt  }
0x41: {  	_ =	shalt  }
0x42: {  	_ =	shalt  }
0x43: {  	_ =	shalt  }
0x44: {  	_ =	shalt  }
0x45: {  	_ =	shalt  }
0x46: {  	_ =	shalt  }
0x47: {  	_ =	shalt  }
0x48: {  	_ =	shalt  }
0x49: {  	_ =	shalt  }
0x4a: {  	_ =	shalt  }
0x4b: {  	_ =	shalt  }
0x4c: {  	_ =	shalt  }
0x4d: {  	_ =	shalt  }
0x4e: {  	_ =	shalt  }
0x4f: {  	_ =	shalt  }
0x50: {  	_ =	shalt  }
0x51: {  	_ =	shalt  }
0x52: {  	_ =	shalt  }
0x53: {  	_ =	shalt  }
0x54: {  	_ =	shalt  }
0x55: {  	_ =	shalt  }
0x56: {  	_ =	shalt  }
0x57: {  	_ =	shalt  }
0x58: {  	_ =	shalt  }
0x59: {  	_ =	shalt  }
0x5a: {  	_ =	shalt  }
0x5b: {  	_ =	shalt  }
0x5c: {  	_ =	shalt  }
0x5d: {  	_ =	shalt  }
0x5e: {  	_ =	shalt  }
0x5f: {  	_ =	shalt  }
0x60: {  	_ =	shalt  }
0x61: {  	_ =	shalt  }
0x62: {  	_ =	shalt  }
0x63: {  	_ =	shalt  }
0x64: {  	_ =	shalt  }
0x65: {  	_ =	shalt  }
0x66: {  	_ =	shalt  }
0x67: {  	_ =	shalt  }
0x68: {  	_ =	shalt  }
0x69: {  	_ =	shalt  }
0x6a: {  	_ =	shalt  }
0x6b: {  	_ =	shalt  }
0x6c: {  	_ =	shalt  }
0x6d: {  	_ =	shalt  }
0x6e: {  	_ =	shalt  }
0x6f: {  	_ =	shalt  }
0x70: {  	_ =	shalt  }
0x71: {  	_ =	shalt  }
0x72: {  	_ =	shalt  }
0x73: {  	_ =	shalt  }
0x74: {  	_ =	shalt  }
0x75: {  	_ =	shalt  }
0x76: {  	_ =	shalt  }
0x77: {  	_ =	shalt  }
0x78: {  	_ =	shalt  }
0x79: {  	_ =	shalt  }
0x7a: {  	_ =	shalt  }
0x7b: {  	_ =	shalt  }
0x7c: {  	_ =	shalt  }
0x7d: {  	_ =	shalt  }
0x7e: {  	_ =	shalt  }
0x7f: {  	_ =	shalt  }
0x80: {  	_ =	shalt  }
0x81: {  	_ =	shalt  }
0x82: {  	_ =	shalt  }
0x83: {  	_ =	shalt  }
0x84: {  	_ =	shalt  }
0x85: {  	_ =	shalt  }
0x86: {  	_ =	shalt  }
0x87: {  	_ =	shalt  }
.Lfunc_end0:
.L_simem_size_0:
called_computation.2_lowered:
.L_overlay_start_0:
0x88: {  	s2 =	sld [smem:$0x3FD9]  }
0x89: {  	s3 =	sld [smem:$0x3FFE];
	_ =	sdelay $0x1  }
0x8a: {  	s1 =	srdreg.scid  }
0x8b: {  	s0 =	sand.u32 $0x1, s1  }
0x8c: {  	s14 =	sshll.u32 s0, $0xA;
	s2 =	sadd.s32 s3, s2  }
0x8d: {  	s2 =	sadd.s32 s2, s14  }
0x8e: {  	[smem:$0x3FBE] =	sst s2  }
0x8f: {  	_ = 	snop  }
0x90: {  	s2 =	sld [smem:$0x3FD0];
	_ =	sdelay $0x2  }
0x91: {  	s15 =	simm.s32 $0xA;
	s4 =	simm.s32 $0x10  }
0x92: {  	[smem:s4], [sflag:s15] =	dma.local [hbm:s2], $0x1  }
0x93: {  	_ =	swait.eq [sflag:s15], $0x1  }
0x94: {  	[sflag:s15] =	ssyncset.done $0x0  }
0x95: {  	[sflag:s15] =	ssyncadd.s32 $0xFFFFFFFF  }
0x96: {  	s16 =	sld [smem:$0x10];
	(tm) =	ssettm $0x1  }
0x97: {  	s17 =	sld [smem:$0x3FFB];
	_ =	sdelay $0x3  }
0x98: {  	_ =	strace s17  }
0x99: {  	s3 =	sld [smem:$0x3FFC];
	_ =	sdelay $0x3  }
0x9a: {  	_ =	strace s3  }
0x9b: {  	s3 =	sld [smem:$0x3FFD];
	_ =	sdelay $0x3  }
0x9c: {  	_ =	strace s3  }
0x9d: {  	_ =	strace $0x8FFFFFFF  }
0x9e: {  	s18 =	sld [smem:$0x3FDB];
	_ =	sdelay $0x1  }
0x9f: {  	s19 =	simm.s32 $_scs_section_size  }
0xa0: {  	s5 =	simm.s32 $_size__tile_overlayer_lowered;
	s6 =	simm.s32 $_tile_overlayer_lowered  }
0xa1: {  	s22 =	simm.s32 $0x1BFF;
	s21 =	sshll.u32 s6, $0x1;
	s3 =	sadd.s32 s19, s18  }
0xa2: {  	s7 =	simm.s32 $0x0;
	s20 =	sshll.u32 s5, $0x1;
	s5 =	sadd.s32 s21, s3  }
0xa3: {  	[timem:s7], [sflag:s22] =	dma.local [hbm:s5], s20  }
0xa4: {  	_ =	swait.ge [sflag:s22], s20  }
0xa5: {  	s4 =	ssub.s32 $0x0, s20;
	[sflag:s22] =	ssyncset.done $0x0  }
0xa6: {  	[sflag:s22] =	ssyncadd.s32 s4;
	_ =	sdelay $0x1  }
0xa7: {  	s23 =	simm.s32 $0x1B8B  }
0xa8: {  	_ =	swait.ge [sflag:s23], $0x1  }
0xa9: {  	[sflag:s23] =	ssyncset.done $0x0  }
0xaa: {  	s25 =	simm.s32 $0x1B8E;
	s24 =	sld [smem:$0x3FFE];
	[sflag:s23] =	ssyncadd.s32 $0xFFFFFFFF  }
0xab: {  	s26 =	simm.s32 $execute0_lowered;
	[smem:$0x3FD2] =	sst s25  }
0xac: {  	s5 =	sshll.u32 s26, $0x1;
	_ =	strace $0x8000004C;
	[dreg:$0x1] =	wrdreg $0xFFFFFFFF  }
0xad: {  	s28 =	simm.s32 $_size_execute0_lowered;
	s3 =	sadd.s32 s3, s5;
	[dreg:$0x0] =	wrdreg $0x0  }
0xae: {  	s5 =	sshll.u32 s28, $0x1;
	[dreg:$0x2] =	wrdreg s3  }
0xaf: {  	[dreg:$0x3] =	wrdreg s5  }
0xb0: {  	[dreg:$0x4] =	wrdreg $0xC0  }
0xb1: {  	_ =	task [dreg:s7], $0x5FFFF  }
0xb2: {  	[dreg:$0x1] =	wrdreg $0xFFFFFFFF  }
0xb3: {  	[dreg:$0x0] =	wrdreg $0x60  }
0xb4: {  	[dreg:$0x2] =	wrdreg s24  }
0xb5: {  	[dreg:$0x3] =	wrdreg s16  }
0xb6: {  	[dreg:$0x4] =	wrdreg $0x9  }
0xb7: {  	_ =	task.clear_ibuf [dreg:s7], $0x5FFFF;
	_ =	strace $0x9000004C  }
0xb8: {  	s29 =	simm.s32 $0x9;
	_ =	strace $0x8000004E  }
0xb9: {  	_ =	swait.ge [sflag:s29], $0x1  }
0xba: {  	[sflag:s29] =	ssyncadd.s32 $0xFFFFFFFF  }
0xbb: {  	_ =	strace $0x9000004E  }
0xbc: {  	_ =	sfence  }
0xbd: {  	s30 =	sld [smem:$0x0];
	_ =	sdelay $0x2  }
0xbe: {  	s31 =	sshll.u32 s1, $0xD;
	s1 =	sshrl.u32 s1, $0x2  }
0xbf: {  	s3 =	sand.u32 $0x4000, s31;
	s1 =	sadd.s32 s1, s30  }
0xc0: {  	s0 =	sor.u32 s3, s0;
	s1 =	sshll.u32 s1, $0x11  }
0xc1: {  	s0 =	sor.u32 s1, s0  }
0xc2: {  	s0 =	sadd.s32 $0x8F2B, s0  }
0xc3: {  	[sflag:s0] =	ssyncadd.remote.s32 $0x1  }
0xc4: {  	_ =	sfence.sel $0xFFFF  }
0xc5: {  	[dreg:$0x0] =	wrdreg $0xFFFFFFFF;
	(pc) =	sbr.abs _section_cstart, $3  }
0xc6: {  	[dreg:$0x1] =	wrdreg $0xFFFFFFFF  }
0xc7: {  	_ =	task.clear_ibuf [dreg:s7], $0x2FFFF;
	_ =	strace $0x9FFFFFFF  }
0xc8: {  	(tm) =	ssettm $0x7FFFFFFF  }
0xc9: {  	_ =	shalt  }
tec
execute0_lowered:
.L_overlay_start_1:
0x0: {  	(tag) =	ssettag $0x1  }
0x1: {  	s0 =	rddreg [dreg:$0x0]  }
0x2: {  	s5 =	rddreg [dreg:$0x1];
	s3 =	srdreg.scid  }
0x3: {  	s2 =	simm.s32 $0x0;
	s1 =	stileid.u32;
	s26 =	simm.s32 $0x880  }
0x4: {  	s10 =	simm.s32 $0x1880;
	s11 =	simm.s32 $0x2080;
	s12 =	simm.s32 $0x2880  }
0x5: {  	s13 =	simm.s32 $0x3080;
	s14 =	simm.s32 $0x3880;
	s15 =	simm.s32 $0x4080  }
0x6: {  	s16 =	simm.s32 $0x4880;
	s17 =	simm.s32 $0x5080;
	s18 =	simm.s32 $0x5880  }
0x7: {  	s19 =	simm.s32 $0x6080;
	s20 =	simm.s32 $0x6880;
	s21 =	simm.s32 $0x7080  }
0x8: {  	s22 =	simm.s32 $0x7880;
	s28 =	simm.s32 $0xA080;
	s29 =	simm.s32 $0xA880  }
0x9: {  	s30 =	simm.s32 $0xB080;
	s31 =	simm.s32 $0xB880;
	s3 =	sand.u32 $0x1, s3  }
0xa: {  	[smem:$0x7FF] =	sst s2;
	s4 =	sshll.u32 s1, $0x4;
	s6 =	sshll.u32 s3, $0x3  }
0xb: {  	_ =	strace $0x8000004D;
	s23 =	ssub.s32 $0x2, s3;
	s3 =	sadd.s32 $0x1400, s0  }
0xc: {  	[dreg:$0x5] =	wrdreg s26;
	s26 =	simm.s32 $0x9880;
	s4 =	sor.u32 s6, s4  }
0xd: {  	s8 =	sshrl.u32 s23, $0x1;
	s7 =	sadd.s32 s4, s0;
	s9 =	smul.u32 $0x300, s4  }
0xe: {  	s6 =	ssub.s32 s23, s8;
	s4 =	sadd.s32 $0x1500, s0;
	s8 =	simm.s32 $0x80  }
0xf: {  	s23 =	simm.s32 $0x8080;
	s24 =	sadd.s32 $0x1200, s7;
	s6 =	smax.u32 s6, $0x1  }
0x10: {  	v2 =	vlaneseq.u32;
	s7 =	simm.s32 $0x2;
	[dreg:$0x3] =	wrdreg s24;
	s25 =	sadd.s32 s5, s9  }
0x11: {  	vm0 =	vmmov $0xffff;
	v1 =	vshrl.u32 v2, $0x3;
	s5 =	sadd.s32 $0x1600, s0;
	s9 =	simm.s32 $0x1080;
	s24 =	simm.s32 $0x8880  }
0x12: {  	v0 =	vand.u32 $0x7, v2;
	v2 =	vor.u32 $0x8, v2;
	v1 =	vmul.u32 $0x8, v1;
	s0 =	simm.s32 $0x1;
	[dreg:$0x4] =	wrdreg s25;
	s25 =	simm.s32 $0x9080  }
.LBB2_1:
0x13: {  	s1 =	rddreg [dreg:$0x3]  }
0x14: {  	[tilespmem:s2], [sflag:$0x2] =	stream.linear.gather [hbm4b:s1+s2], $0x40, $0x38;
	[tilespmem:$0xC080] =	vst v63  }
0x15: {  	_ =	swait.ge [sflag:s7], $0x40  }
0x16: {  	[sflag:s7] =	ssyncset.done $0x0  }
0x17: {  	[sflag:s7] =	ssyncadd.s32 $0xFFFFFFC0  }
0x18: {  	v3 =	vld [tilespmem:$0x0];
	_ =	sdelay $0x4  }
0x19: {  	v4 =	vshrl.u32 v3, $0x3  }
0x1a: {  	v4 =	vmul.u32 $0x30, v4  }
0x1b: {  	v3 =	vand.u32 $0x7, v3  }
0x1c: {  	v3 =	vor.u32 v3, v4  }
0x1d: {  	v4 =	vperm.xlane v3, v0;
	_ =	sdelay $0x1  }
0x1e: {  	v4 =	vadd.s32 v1, v4;
	_ =	sdelay $0x3  }
0x1f: {  	v3 =	vperm.xlane v3, v2  }
0x20: {  	[tilespmem:s8], [sflag:$0x1] =	stream.indirect_vreg.gather [hbm4b:s3+s2], $0x80, v4, vm0, $0xb8;
	[tilespmem:$0xC080] =	vst v63  }
0x21: {  	s1 =	rddreg [dreg:$0x5];
	v3 =	vadd.s32 v1, v3  }
0x22: {  	[tilespmem:s1], [sflag:$0x1] =	stream.indirect_vreg.gather [hbm4b:s4+s2], $0x80, v4, vm0, $0xb8;
	[tilespmem:$0xC080] =	vst v63  }
0x23: {  	_ = 	snop  }
0x24: {  	[tilespmem:s9], [sflag:$0x1] =	stream.indirect_vreg.gather [hbm4b:s5+s2], $0x80, v4, vm0, $0xb8;
	[tilespmem:$0xC080] =	vst v63  }
0x25: {  	_ = 	snop  }
0x26: {  	[tilespmem:s10], [sflag:$0x1] =	stream.indirect_vreg.gather [hbm4b:s3+s2], $0x80, v3, vm0, $0xb8;
	[tilespmem:$0xC080] =	vst v63  }
0x27: {  	_ = 	snop  }
0x28: {  	[tilespmem:s11], [sflag:$0x1] =	stream.indirect_vreg.gather [hbm4b:s4+s2], $0x80, v3, vm0, $0xb8;
	[tilespmem:$0xC080] =	vst v63  }
0x29: {  	_ = 	snop  }
0x2a: {  	[tilespmem:s12], [sflag:$0x1] =	stream.indirect_vreg.gather [hbm4b:s5+s2], $0x80, v3, vm0, $0xb8;
	[tilespmem:$0xC080] =	vst v63  }
0x2b: {  	v3 =	vld [tilespmem:$0x10];
	_ =	sdelay $0x4  }
0x2c: {  	v61 =	vshrl.u32 v3, $0x3  }
0x2d: {  	v4 =	vmul.u32 $0x30, v61  }
0x2e: {  	v3 =	vand.u32 $0x7, v3  }
0x2f: {  	v3 =	vor.u32 v3, v4  }
0x30: {  	v4 =	vperm.xlane v3, v0;
	_ =	sdelay $0x1  }
0x31: {  	v4 =	vadd.s32 v1, v4;
	_ =	sdelay $0x3  }
0x32: {  	v3 =	vperm.xlane v3, v2  }
0x33: {  	[tilespmem:s13], [sflag:$0x1] =	stream.indirect_vreg.gather [hbm4b:s3+s2], $0x80, v4, vm0, $0xb8;
	[tilespmem:$0xC080] =	vst v63  }
0x34: {  	v3 =	vadd.s32 v1, v3  }
0x35: {  	[tilespmem:s14], [sflag:$0x1] =	stream.indirect_vreg.gather [hbm4b:s4+s2], $0x80, v4, vm0, $0xb8;
	[tilespmem:$0xC080] =	vst v63  }
0x36: {  	_ = 	snop  }
0x37: {  	[tilespmem:s15], [sflag:$0x1] =	stream.indirect_vreg.gather [hbm4b:s5+s2], $0x80, v4, vm0, $0xb8;
	[tilespmem:$0xC080] =	vst v63  }
0x38: {  	_ = 	snop  }
0x39: {  	[tilespmem:s16], [sflag:$0x1] =	stream.indirect_vreg.gather [hbm4b:s3+s2], $0x80, v3, vm0, $0xb8;
	[tilespmem:$0xC080] =	vst v63  }
0x3a: {  	_ = 	snop  }
0x3b: {  	[tilespmem:s17], [sflag:$0x1] =	stream.indirect_vreg.gather [hbm4b:s4+s2], $0x80, v3, vm0, $0xb8;
	[tilespmem:$0xC080] =	vst v63  }
0x3c: {  	_ = 	snop  }
0x3d: {  	[tilespmem:s18], [sflag:$0x1] =	stream.indirect_vreg.gather [hbm4b:s5+s2], $0x80, v3, vm0, $0xb8;
	[tilespmem:$0xC080] =	vst v63  }
0x3e: {  	v3 =	vld [tilespmem:$0x20];
	_ =	sdelay $0x4  }
0x3f: {  	v62 =	vshrl.u32 v3, $0x3  }
0x40: {  	v4 =	vmul.u32 $0x30, v62  }
0x41: {  	v3 =	vand.u32 $0x7, v3  }
0x42: {  	v3 =	vor.u32 v3, v4  }
0x43: {  	v4 =	vperm.xlane v3, v0;
	_ =	sdelay $0x1  }
0x44: {  	v4 =	vadd.s32 v1, v4;
	_ =	sdelay $0x3  }
0x45: {  	v3 =	vperm.xlane v3, v2  }
0x46: {  	[tilespmem:s19], [sflag:$0x1] =	stream.indirect_vreg.gather [hbm4b:s3+s2], $0x80, v4, vm0, $0xb8;
	[tilespmem:$0xC080] =	vst v63  }
0x47: {  	v3 =	vadd.s32 v1, v3  }
0x48: {  	[tilespmem:s20], [sflag:$0x1] =	stream.indirect_vreg.gather [hbm4b:s4+s2], $0x80, v4, vm0, $0xb8;
	[tilespmem:$0xC080] =	vst v63  }
0x49: {  	_ = 	snop  }
0x4a: {  	[tilespmem:s21], [sflag:$0x1] =	stream.indirect_vreg.gather [hbm4b:s5+s2], $0x80, v4, vm0, $0xb8;
	[tilespmem:$0xC080] =	vst v63  }
0x4b: {  	_ = 	snop  }
0x4c: {  	[tilespmem:s22], [sflag:$0x1] =	stream.indirect_vreg.gather [hbm4b:s3+s2], $0x80, v3, vm0, $0xb8;
	[tilespmem:$0xC080] =	vst v63  }
0x4d: {  	_ = 	snop  }
0x4e: {  	[tilespmem:s23], [sflag:$0x1] =	stream.indirect_vreg.gather [hbm4b:s4+s2], $0x80, v3, vm0, $0xb8;
	[tilespmem:$0xC080] =	vst v63  }
0x4f: {  	_ = 	snop  }
0x50: {  	[tilespmem:s24], [sflag:$0x1] =	stream.indirect_vreg.gather [hbm4b:s5+s2], $0x80, v3, vm0, $0xb8;
	[tilespmem:$0xC080] =	vst v63  }
0x51: {  	v3 =	vld [tilespmem:$0x30];
	_ =	sdelay $0x4  }
0x52: {  	v63 =	vshrl.u32 v3, $0x3  }
0x53: {  	v4 =	vmul.u32 $0x30, v63  }
0x54: {  	v3 =	vand.u32 $0x7, v3  }
0x55: {  	v3 =	vor.u32 v3, v4  }
0x56: {  	v4 =	vperm.xlane v3, v0;
	_ =	sdelay $0x1  }
0x57: {  	v4 =	vadd.s32 v1, v4;
	_ =	sdelay $0x3  }
0x58: {  	v3 =	vperm.xlane v3, v2  }
0x59: {  	[tilespmem:s25], [sflag:$0x1] =	stream.indirect_vreg.gather [hbm4b:s3+s2], $0x80, v4, vm0, $0xb8;
	[tilespmem:$0xC080] =	vst v63  }
0x5a: {  	v3 =	vadd.s32 v1, v3  }
0x5b: {  	[tilespmem:s26], [sflag:$0x1] =	stream.indirect_vreg.gather [hbm4b:s4+s2], $0x80, v4, vm0, $0xb8;
	[tilespmem:$0xC080] =	vst v63  }
0x5c: {  	_ = 	snop  }
0x5d: {  	[tilespmem:s28], [sflag:$0x1] =	stream.indirect_vreg.gather [hbm4b:s5+s2], $0x80, v4, vm0, $0xb8;
	[tilespmem:$0xC080] =	vst v63  }
0x5e: {  	_ = 	snop  }
0x5f: {  	[tilespmem:s29], [sflag:$0x1] =	stream.indirect_vreg.gather [hbm4b:s3+s2], $0x80, v3, vm0, $0xb8;
	[tilespmem:$0xC080] =	vst v63  }
0x60: {  	_ = 	snop  }
0x61: {  	[tilespmem:s30], [sflag:$0x1] =	stream.indirect_vreg.gather [hbm4b:s4+s2], $0x80, v3, vm0, $0xb8;
	[tilespmem:$0xC080] =	vst v63  }
0x62: {  	_ = 	snop  }
0x63: {  	[tilespmem:s31], [sflag:$0x1] =	stream.indirect_vreg.gather [hbm4b:s5+s2], $0x80, v3, vm0, $0xb8;
	[tilespmem:$0xC080] =	vst v63  }
0x64: {  	_ =	swait.ge [sflag:s0], $0xC000  }
0x65: {  	p0 =	sne.s32 s6, $0x1;
	[sflag:s0] =	ssyncset.done $0x0  }
.Ltmp0:
0x66: {  	s1 =	rddreg [dreg:$0x4];
	[sflag:s0] =	ssyncadd.s32 $0xFFFF4000;
	(pc) =	sbr.rel @p0 .LBB2_1-.Ltmp0, $4  }
0x67: {  	[hbm4b:s1+s2] =	stream.linear.scatter [tilespmem:s8], [sflag:$0x2], $0xC000, $0x38;
	[tilespmem:$0xC080] =	vst v63  }
0x68: {  	_ =	swait.ge [sflag:s7], $0xC000  }
0x69: {  	[sflag:s7] =	ssyncset.done $0x0  }
0x6a: {  	s6 =	sadd.s32 $0xFFFFFFFF, s6;
	[sflag:s7] =	ssyncadd.s32 $0xFFFF4000  }
0x6b: {  	_ =	sfence.sel $0x180000  }
0x6c: {  	[bflag:$0x0] =	sbarrier.arrive $0xFFFF  }
0x6d: {  	_ =	strace $0x9000004D  }
0x6e: {  	s0 =	stileid.u32;
	[bflag:$0x2] =	sbarrier.arrive $0xFFFF  }
0x6f: {  	p0 =	sne.s32 s0, $0x0;
	s0 =	rddreg [dreg:$0x2]  }
0x70: {  	s0 =	sadd.s32 @!p0 $0x100000, s0  }
0x71: {  	[sflag:s0] =	ssyncadd.tile.s32 @!p0 $0x1;
	_ =	shalt  }
.Lfunc_end2:
_tile_overlayer_lowered:
.L_overlay_start_2:
0x72: {  	(tag) =	ssettag $0x2  }
0x73: {  	s0 =	rddreg [dreg:$0x0];
	s2 =	stileid.u32  }
0x74: {  	s1 =	rddreg [dreg:$0x1];
	p0 =	sne.s32 s2, $0x0  }
0x75: {  	s3 =	rddreg [dreg:$0x2];
	[bflag:$0x3] =	sbarrier.arrive $0xFFFF;
	s2 =	simm.s32 @!p0 $0x1C02  }
0x76: {  	[timem:s3], [sflag:s2] =	dma.local @!p0 [hbm:s0], s1  }
0x77: {  	s0 =	simm.s32 @!p0 $0x2  }
0x78: {  	_ =	swait.ge @!p0 [sflag:s0], s1  }
0x79: {  	s1 =	ssub.s32 @!p0 $0x0, s1;
	[sflag:s0] =	ssyncset.done @!p0 $0x0  }
0x7a: {  	[sflag:s0] =	ssyncadd.s32 @!p0 s1  }
0x7b: {  	[bflag:$0x3] =	sbarrier.arrive $0xFFFF  }
0x7c: {  	_ =	shalt  }

// kernel: kernel.6.cloned.1.call-start
scs
__scs_entry_jumppad:
0x0: {  	(pc) =	sbr.rel $0x88, $3  }
0x1: {  	(tag) =	ssettag $0x0;
	lr =	simm.s32 $0x1  }
0x2: {  	[smem:$0x3F97] =	sst lr;
	_ =	strace $0xD0000000  }
0x3: {  	_ = 	snop  }
0x4: {  	_ = 	snop  }
0x5: {  	_ = 	snop  }
0x6: {  	_ = 	snop  }
0x7: {  	_ = 	snop  }
__scs_overlays_trampoline_lowered:
0x8: {  	[smem:$0x3FA6] =	sst s0  }
0x9: {  	[smem:$0x3FA7] =	sst s1  }
0xa: {  	[smem:$0x3FA8] =	sst s2  }
0xb: {  	[smem:$0x3FA9] =	sst s3  }
0xc: {  	[smem:$0x3FAA] =	sst s4  }
0xd: {  	[smem:$0x3FAB] =	sst s5  }
0xe: {  	[smem:$0x3FAC] =	sst s6  }
0xf: {  	[smem:$0x3FAD] =	sst s7  }
0x10: {  	[smem:$0x3FAE] =	sst s8  }
0x11: {  	[smem:$0x3FAF] =	sst s9;
	s0 =	simm.s32 @!p0 $0x0  }
0x12: {  	s1 =	sld [smem:$0x3F95];
	s0 =	simm.s32 @p0 $0x1  }
0x13: {  	[smem:$0x3FB0] =	sst s0;
	s0 =	simm.s32 @!p1 $0x0  }
0x14: {  	s2 =	sld [smem:$0x3F94];
	s0 =	simm.s32 @p1 $0x1  }
0x15: {  	[smem:$0x3FB1] =	sst s0;
	s0 =	simm.s32 @!p2 $0x0  }
0x16: {  	s3 =	sld [smem:$0x3FDB];
	s0 =	simm.s32 @p2 $0x1  }
0x17: {  	s4 =	simm.s32 $0x1BF5;
	[smem:$0x3FB3] =	sst s0  }
0x18: {  	s0 =	sld [smem:$0x3F96];
	_ =	swait.ge [sflag:s4], $0x0  }
0x19: {  	s7 =	sld [smem:$0x3F97]  }
0x1a: {  	s8 =	sadd.s32 $0xFFFFE003, lr  }
0x1b: {  	s9 =	sadd.s32 $0xFFFFFEF7, lr;
	s5 =	simm.s32 $0xFFFFFFFF;
	p2 =	slt.u32 s8, $0xFFFFF086  }
0x1c: {  	p1 =	slt.u32 s9, $0xF7A;
	s5 =	simm.s32 @!p2 $0x0  }
0x1d: {  	s5 =	simm.s32 @p1 $0x1;
	p0 =	seq.s32 s7, s2  }
0x1e: {  	s7 =	smul.u32 @!p0 $0xF7A, s2;
	p2 =	seq.s32 @!p0 s5, $0x0  }
0x1f: {  	s9 =	smul.u32 $0xF7A, s1;
	s8 =	simm.s32 @!p0 $0x1BF5;
	p2 =	por !p2, p0  }
0x20: {  	[sflag:s8] =	ssyncset.s32 @!p0 $0xFFFFF086;
	s6 =	sadd.s32 @!p0 s3, s7;
	s7 =	simm.s32 @!p0 $0x108  }
0x21: {  	s3 =	sadd.s32 s3, s9;
	s6 =	sadd.s32 @!p0 $0x88, s6;
	s7 =	simm.s32 @p2 $0x1082  }
0x22: {  	[simem:s7], [sflag:s8] =	dma.local @!p0 [hbm:s6], $0xF7A  }
0x23: {  	s9 =	sor.u32 $0xD0000000, s2;
	s6 =	simm.s32 $0x108;
	_ =	swait.ge @!p0 [sflag:s8], $0x0  }
0x24: {  	s3 =	sadd.s32 $0x88, s3;
	s6 =	simm.s32 @!p1 $0x1082;
	[sflag:s4] =	ssyncset.s32 $0xFFFFF086  }
0x25: {  	[simem:s6], [sflag:s4] =	dma.local [hbm:s3], $0xF7A  }
0x26: {  	[smem:$0x3F97] =	sst s1;
	(tag) =	ssettag s2;
	_ =	strace s9  }
0x27: {  	s1 =	sld [smem:$0x3FA7]  }
0x28: {  	s2 =	sld [smem:$0x3FA8]  }
0x29: {  	s4 =	sld [smem:$0x3FAA]  }
0x2a: {  	p0 =	seq.s32 s5, $0x0;
	s5 =	sld [smem:$0x3FAB]  }
0x2b: {  	s6 =	sld [smem:$0x3FAC]  }
0x2c: {  	s7 =	sld [smem:$0x3FAD]  }
0x2d: {  	s3 =	simm.s32 $0x108;
	s8 =	sld [smem:$0x3FAE]  }
0x2e: {  	s3 =	simm.s32 @!p0 $0x1082;
	s9 =	sld [smem:$0x3FAF]  }
0x2f: {  	lr =	sadd.s32 s0, s3;
	s0 =	sld [smem:$0x3FA6]  }
0x30: {  	s3 =	sld [smem:$0x3FA9]  }
0x31: {  	[smem:$0x3FB2] =	sst s10  }
0x32: {  	s10 =	sld [smem:$0x3FB0];
	_ =	sdelay $0x3  }
0x33: {  	p0 =	seq.s32 s10, $0x1;
	s10 =	sld [smem:$0x3FB2];
	_ =	sdelay $0x3  }
0x34: {  	[smem:$0x3FB2] =	sst s10  }
0x35: {  	s10 =	sld [smem:$0x3FB1];
	_ =	sdelay $0x3  }
0x36: {  	p1 =	seq.s32 s10, $0x1;
	s10 =	sld [smem:$0x3FB2];
	_ =	sdelay $0x3  }
0x37: {  	[smem:$0x3FB2] =	sst s10  }
0x38: {  	s10 =	sld [smem:$0x3FB3]  }
0x39: {  	_ = 	snop;
	(pc) =	sbr.ind lr, $3  }
0x3a: {  	_ = 	snop  }
0x3b: {  	_ = 	snop  }
0x3c: {  	p2 =	seq.s32 s10, $0x1;
	s10 =	sld [smem:$0x3FB2]  }
0x3d: {  	_ =	shalt  }
0x3e: {  	_ =	shalt  }
0x3f: {  	_ =	shalt  }
0x40: {  	_ =	shalt  }
0x41: {  	_ =	shalt  }
0x42: {  	_ =	shalt  }
0x43: {  	_ =	shalt  }
0x44: {  	_ =	shalt  }
0x45: {  	_ =	shalt  }
0x46: {  	_ =	shalt  }
0x47: {  	_ =	shalt  }
0x48: {  	_ =	shalt  }
0x49: {  	_ =	shalt  }
0x4a: {  	_ =	shalt  }
0x4b: {  	_ =	shalt  }
0x4c: {  	_ =	shalt  }
0x4d: {  	_ =	shalt  }
0x4e: {  	_ =	shalt  }
0x4f: {  	_ =	shalt  }
0x50: {  	_ =	shalt  }
0x51: {  	_ =	shalt  }
0x52: {  	_ =	shalt  }
0x53: {  	_ =	shalt  }
0x54: {  	_ =	shalt  }
0x55: {  	_ =	shalt  }
0x56: {  	_ =	shalt  }
0x57: {  	_ =	shalt  }
0x58: {  	_ =	shalt  }
0x59: {  	_ =	shalt  }
0x5a: {  	_ =	shalt  }
0x5b: {  	_ =	shalt  }
0x5c: {  	_ =	shalt  }
0x5d: {  	_ =	shalt  }
0x5e: {  	_ =	shalt  }
0x5f: {  	_ =	shalt  }
0x60: {  	_ =	shalt  }
0x61: {  	_ =	shalt  }
0x62: {  	_ =	shalt  }
0x63: {  	_ =	shalt  }
0x64: {  	_ =	shalt  }
0x65: {  	_ =	shalt  }
0x66: {  	_ =	shalt  }
0x67: {  	_ =	shalt  }
0x68: {  	_ =	shalt  }
0x69: {  	_ =	shalt  }
0x6a: {  	_ =	shalt  }
0x6b: {  	_ =	shalt  }
0x6c: {  	_ =	shalt  }
0x6d: {  	_ =	shalt  }
0x6e: {  	_ =	shalt  }
0x6f: {  	_ =	shalt  }
0x70: {  	_ =	shalt  }
0x71: {  	_ =	shalt  }
0x72: {  	_ =	shalt  }
0x73: {  	_ =	shalt  }
0x74: {  	_ =	shalt  }
0x75: {  	_ =	shalt  }
0x76: {  	_ =	shalt  }
0x77: {  	_ =	shalt  }
0x78: {  	_ =	shalt  }
0x79: {  	_ =	shalt  }
0x7a: {  	_ =	shalt  }
0x7b: {  	_ =	shalt  }
0x7c: {  	_ =	shalt  }
0x7d: {  	_ =	shalt  }
0x7e: {  	_ =	shalt  }
0x7f: {  	_ =	shalt  }
0x80: {  	_ =	shalt  }
0x81: {  	_ =	shalt  }
0x82: {  	_ =	shalt  }
0x83: {  	_ =	shalt  }
0x84: {  	_ =	shalt  }
0x85: {  	_ =	shalt  }
0x86: {  	_ =	shalt  }
0x87: {  	_ =	shalt  }
.Lfunc_end0:
.L_simem_size_0:
called_computation_lowered:
.L_overlay_start_0:
0x88: {  	s2 =	sld [smem:$0x3FD9]  }
0x89: {  	s3 =	sld [smem:$0x3FFE];
	_ =	sdelay $0x1  }
0x8a: {  	s1 =	srdreg.scid  }
0x8b: {  	s0 =	sand.u32 $0x1, s1  }
0x8c: {  	s14 =	sshll.u32 s0, $0xA;
	s2 =	sadd.s32 s3, s2  }
0x8d: {  	s2 =	sadd.s32 s2, s14  }
0x8e: {  	[smem:$0x3FBE] =	sst s2  }
0x8f: {  	_ = 	snop  }
0x90: {  	s2 =	sld [smem:$0x3FD0];
	_ =	sdelay $0x2  }
0x91: {  	s15 =	simm.s32 $0xA;
	s4 =	simm.s32 $0x10  }
0x92: {  	[smem:s4], [sflag:s15] =	dma.local [hbm:s2], $0x1  }
0x93: {  	_ =	swait.eq [sflag:s15], $0x1  }
0x94: {  	s16 =	sld [smem:$0x10];
	[sflag:s15] =	ssyncset.done $0x0  }
0x95: {  	s17 =	sld [smem:$0x11];
	[sflag:s15] =	ssyncadd.s32 $0xFFFFFFFF  }
0x96: {  	s18 =	sld [smem:$0x12];
	(tm) =	ssettm $0x1  }
0x97: {  	s5 =	sld [smem:$0x3FFB];
	_ =	sdelay $0x3  }
0x98: {  	_ =	strace s5  }
0x99: {  	s5 =	sld [smem:$0x3FFC];
	_ =	sdelay $0x3  }
0x9a: {  	_ =	strace s5  }
0x9b: {  	s5 =	sld [smem:$0x3FFD];
	_ =	sdelay $0x3  }
0x9c: {  	_ =	strace s5  }
0x9d: {  	_ =	strace $0x8FFFFFFF  }
0x9e: {  	s19 =	sld [smem:$0x3FDB];
	_ =	sdelay $0x1  }
0x9f: {  	s6 =	simm.s32 $_scs_section_size  }
0xa0: {  	s7 =	simm.s32 $_size__tile_overlayer_lowered;
	s8 =	simm.s32 $_tile_overlayer_lowered  }
0xa1: {  	s22 =	simm.s32 $0x1BFF;
	s21 =	sshll.u32 s8, $0x1;
	s5 =	sadd.s32 s6, s19  }
0xa2: {  	s9 =	simm.s32 $0x0;
	s20 =	sshll.u32 s7, $0x1;
	s7 =	sadd.s32 s21, s5  }
0xa3: {  	[timem:s9], [sflag:s22] =	dma.local [hbm:s7], s20  }
0xa4: {  	_ =	swait.ge [sflag:s22], s20  }
0xa5: {  	s6 =	ssub.s32 $0x0, s20;
	[sflag:s22] =	ssyncset.done $0x0  }
0xa6: {  	[sflag:s22] =	ssyncadd.s32 s6;
	_ =	sdelay $0x1  }
0xa7: {  	s23 =	simm.s32 $0x1B8B  }
0xa8: {  	_ =	swait.ge [sflag:s23], $0x1  }
0xa9: {  	[sflag:s23] =	ssyncset.done $0x0  }
0xaa: {  	s25 =	simm.s32 $0x1B8E;
	s24 =	sld [smem:$0x3FFE];
	[sflag:s23] =	ssyncadd.s32 $0xFFFFFFFF  }
0xab: {  	s26 =	simm.s32 $execute0_lowered;
	[smem:$0x3FD2] =	sst s25  }
0xac: {  	s7 =	sshll.u32 s26, $0x1;
	_ =	strace $0x80000046;
	[dreg:$0x1] =	wrdreg $0xFFFFFFFF  }
0xad: {  	s28 =	simm.s32 $_size_execute0_lowered;
	s5 =	sadd.s32 s5, s7;
	[dreg:$0x0] =	wrdreg $0x0  }
0xae: {  	s7 =	sshll.u32 s28, $0x1;
	[dreg:$0x2] =	wrdreg s5  }
0xaf: {  	[dreg:$0x3] =	wrdreg s7  }
0xb0: {  	[dreg:$0x4] =	wrdreg $0xC0  }
0xb1: {  	_ =	task [dreg:s9], $0x5FFFF  }
0xb2: {  	[dreg:$0x1] =	wrdreg $0xFFFFFFFF  }
0xb3: {  	[dreg:$0x0] =	wrdreg $0x60  }
0xb4: {  	[dreg:$0x2] =	wrdreg s16  }
0xb5: {  	[dreg:$0x3] =	wrdreg s17  }
0xb6: {  	[dreg:$0x4] =	wrdreg s24  }
0xb7: {  	[dreg:$0x5] =	wrdreg s18  }
0xb8: {  	[dreg:$0x6] =	wrdreg $0x9  }
0xb9: {  	_ =	task.clear_ibuf [dreg:s9], $0x7FFFF;
	_ =	strace $0x90000046  }
0xba: {  	s29 =	simm.s32 $0x9;
	_ =	strace $0x80000048  }
0xbb: {  	_ =	swait.ge [sflag:s29], $0x1  }
0xbc: {  	[sflag:s29] =	ssyncadd.s32 $0xFFFFFFFF  }
0xbd: {  	_ =	strace $0x90000048  }
0xbe: {  	_ =	sfence  }
0xbf: {  	s30 =	sld [smem:$0x0];
	_ =	sdelay $0x2  }
0xc0: {  	s31 =	sshll.u32 s1, $0xD;
	s1 =	sshrl.u32 s1, $0x2  }
0xc1: {  	s3 =	sand.u32 $0x4000, s31;
	s1 =	sadd.s32 s1, s30  }
0xc2: {  	s0 =	sor.u32 s3, s0;
	s1 =	sshll.u32 s1, $0x11  }
0xc3: {  	s0 =	sor.u32 s1, s0  }
0xc4: {  	s0 =	sadd.s32 $0x8F2B, s0  }
0xc5: {  	[sflag:s0] =	ssyncadd.remote.s32 $0x1  }
0xc6: {  	_ =	sfence.sel $0xFFFF  }
0xc7: {  	[dreg:$0x0] =	wrdreg $0xFFFFFFFF;
	(pc) =	sbr.abs _section_cstart, $3  }
0xc8: {  	[dreg:$0x1] =	wrdreg $0xFFFFFFFF  }
0xc9: {  	_ =	task.clear_ibuf [dreg:s9], $0x2FFFF;
	_ =	strace $0x9FFFFFFF  }
0xca: {  	(tm) =	ssettm $0x7FFFFFFF  }
0xcb: {  	_ =	shalt  }
tec
execute0_lowered:
.L_overlay_start_1:
0x0: {  	(tag) =	ssettag $0x1  }
0x1: {  	s1 =	srdreg.scid  }
0x2: {  	s5 =	sand.u32 $0x1, s1;
	s1 =	stileid.u32  }
0x3: {  	s7 =	sor.u32 s1, s5  }
0x4: {  	p0 =	sne.s32 s7, $0x0  }
.Ltmp0:
0x5: {  	s0 =	rddreg [dreg:$0x0];
	(pc) =	sbr.rel @p0 .LBB2_7-.Ltmp0, $4  }
0x6: {  	s2 =	rddreg [dreg:$0x1]  }
0x7: {  	s6 =	rddreg [dreg:$0x2]  }
0x8: {  	s4 =	rddreg [dreg:$0x3]  }
0x9: {  	s3 =	rddreg [dreg:$0x4];
	_ =	strace $0x80000047  }
0xa: {  	s7 =	ssub.s32 $0x2, s5;
	s5 =	sadd.s32 $0x1200, s6;
	s6 =	sadd.s32 $0x1000, s6  }
0xb: {  	s9 =	simm.s32 $0x1;
	s10 =	simm.s32 $0x5880;
	s11 =	simm.s32 $0x5800  }
0xc: {  	s12 =	simm.s32 $0x5000;
	s13 =	simm.s32 $0x4800;
	s8 =	sshrl.u32 s7, $0x1  }
0xd: {  	v0 =	vimm.s32 $0x0;
	vm0 =	vmmov $0xff;
	v1 =	vlaneseq.u32;
	s14 =	simm.s32 $0x0;
	s7 =	ssub.s32 s7, s8;
	s8 =	simm.s32 $0x0  }
.LBB2_2:
0xe: {  	[tilespmem:s8], [sflag:$0x1] =	stream.linear.gather [hbm4b:s0+s8], $0x4000, $0x38;
	[tilespmem:$0x5900] =	vst v63  }
0xf: {  	_ =	swait.ge [sflag:s9], $0x4000  }
0x10: {  	[sflag:s9] =	ssyncset.done $0x0  }
0x11: {  	s15 =	sand.u32 $0x70, s8;
	s16 =	sand.u32 $0x3C00, s8;
	[sflag:s9] =	ssyncadd.s32 $0xFFFFC000  }
0x12: {  	s15 =	sor.u32 s15, s16;
	[tilespmem:$0x5880] =	vst v0  }
0x13: {  	v2 =	vld [tilespmem:s15+$0x0]  }
0x14: {  	v3 =	vld [tilespmem:s15+$0x80];
	_ =	sdelay $0x1  }
0x15: {  	v4 =	vld [tilespmem:s15+$0x100];
	_ =	sdelay $0x1  }
0x16: {  	v5 =	vld [tilespmem:s15+$0x180]  }
0x17: {  	vm1 =	vgt.f32 v3, v2  }
0x18: {  	v6 =	vld [tilespmem:s15+$0x200];
	v2 =	vsel vm1, v3, v2  }
0x19: {  	vm2 =	vgt.f32 v4, v2  }
0x1a: {  	v3 =	vld [tilespmem:s15+$0x280];
	v2 =	vsel vm2, v4, v2  }
0x1b: {  	vm3 =	vgt.f32 v5, v2  }
0x1c: {  	v4 =	vld [tilespmem:s15+$0x300];
	v2 =	vsel vm3, v5, v2  }
0x1d: {  	vm4 =	vgt.f32 v6, v2  }
0x1e: {  	v7 =	vld [tilespmem:s15+$0x380];
	v5 =	vsel vm1, $0x1, v0;
	v2 =	vsel vm4, v6, v2  }
0x1f: {  	v5 =	vsel vm2, $0x2, v5;
	vm1 =	vgt.f32 v3, v2  }
0x20: {  	v5 =	vsel vm3, $0x3, v5;
	v2 =	vsel vm1, v3, v2  }
0x21: {  	v3 =	vsel vm4, $0x4, v5;
	vm2 =	vgt.f32 v4, v2  }
0x22: {  	v3 =	vsel vm1, $0x5, v3;
	v2 =	vsel vm2, v4, v2  }
0x23: {  	v3 =	vsel vm2, $0x6, v3;
	vm1 =	vgt.f32 v7, v2  }
0x24: {  	v2 =	vsel vm1, $0x7, v3  }
0x25: {  	(xrf1) =	vunique.msk.u32 $0xffff, v2;
	_ =	sdelay $0x7  }
0x26: {  	s30 =	simm.s32 $0x4000  }
0x27: {  	[tilespmem:s30+$0x0] =	vst v2  }
0x28: {  	v3 =	vld.idx.msk [tilespmem:v2+s10+$0x0], $0xffff;
	_ =	sdelay $0x3  }
0x29: {  	_, v4, vm1 =	vpop (xrf1)  }
0x2a: {  	v3 =	vadd.s32 v3, v4  }
0x2b: {  	s31 =	simm.s32 $0x10;
	s20 =	simm.s32 $0x20;
	s18 =	simm.s32 $0x80;
	v4 =	vadd.s32 $0xFFFFFFFF, v3  }
0x2c: {  	s17 =	sand.u32 $0x70, s31;
	s16 =	simm.s32 $0x4010;
	s15 =	simm.s32 $0x4810;
	[tilespmem:s13+$0x0] =	vst v4  }
.LBB2_3:
0x2d: {  	s19 =	smov.u32 s20  }
0x2e: {  	s21 =	sand.u32 $0x70, s20;
	s22 =	sand.u32 $0x3C00, s18;
	s19 =	sadd.s32 $0x10, s20  }
0x2f: {  	p0 =	sne.s32 s20, $0x7F0;
	s20 =	sor.u32 s17, s22;
	s17 =	smov.u32 s21;
	[tilespmem:v2+s10+$0x0] =	vst.idx.msk vm1, v3  }
0x30: {  	v2 =	vld [tilespmem:s20+$0x0]  }
0x31: {  	v3 =	vld [tilespmem:s20+$0x80]  }
0x32: {  	v4 =	vld [tilespmem:s20+$0x100];
	_ =	sdelay $0x1  }
0x33: {  	v5 =	vld [tilespmem:s20+$0x180];
	_ =	sdelay $0x1  }
0x34: {  	vm1 =	vgt.f32 v3, v2;
	v6 =	vld [tilespmem:s20+$0x200]  }
0x35: {  	v2 =	vsel vm1, v3, v2  }
0x36: {  	vm2 =	vgt.f32 v4, v2;
	v3 =	vld [tilespmem:s20+$0x280]  }
0x37: {  	v2 =	vsel vm2, v4, v2  }
0x38: {  	vm3 =	vgt.f32 v5, v2;
	v4 =	vld [tilespmem:s20+$0x300]  }
0x39: {  	v2 =	vsel vm3, v5, v2  }
0x3a: {  	v5 =	vsel vm1, $0x1, v0;
	vm1 =	vgt.f32 v6, v2;
	v7 =	vld [tilespmem:s20+$0x380]  }
0x3b: {  	v5 =	vsel vm2, $0x2, v5;
	v2 =	vsel vm1, v6, v2  }
0x3c: {  	v5 =	vsel vm3, $0x3, v5;
	vm2 =	vgt.f32 v3, v2  }
0x3d: {  	v5 =	vsel vm1, $0x4, v5;
	v2 =	vsel vm2, v3, v2  }
0x3e: {  	v3 =	vsel vm2, $0x5, v5;
	vm1 =	vgt.f32 v4, v2  }
0x3f: {  	v2 =	vsel vm1, v4, v2;
	v3 =	vsel vm1, $0x6, v3  }
0x40: {  	vm1 =	vgt.f32 v7, v2  }
0x41: {  	v2 =	vsel vm1, $0x7, v3  }
0x42: {  	[tilespmem:s16+$0x0] =	vst v2;
	(xrf1) =	vunique.msk.u32 $0xffff, v2;
	_ =	sdelay $0x9  }
0x43: {  	v3 =	vld.idx.msk [tilespmem:v2+s10+$0x0], $0xffff;
	_ =	sdelay $0x3  }
.Ltmp1:
0x44: {  	_, v4, vm1 =	vpop (xrf1);
	(pc) =	sbr.rel @p0 .LBB2_3-.Ltmp1, $4  }
0x45: {  	_ = 	snop  }
0x46: {  	v3 =	vadd.s32 v3, v4  }
0x47: {  	s18 =	sadd.s32 $0x80, s18;
	v4 =	vadd.s32 $0xFFFFFFFF, v3  }
0x48: {  	s20 =	smov.u32 s19;
	s16 =	sadd.s32 $0x10, s16;
	[tilespmem:s15+$0x0] =	vst v4;
	s15 =	sadd.s32 $0x10, s15  }
0x49: {  	_ =	sdelay $0x3  }
0x4a: {  	s18 =	sand.u32 $0x3C00, s18  }
0x4b: {  	[tilespmem:v2+s10+$0x0] =	vst.idx.msk vm1, v3;
	s17 =	sor.u32 s17, s18  }
0x4c: {  	v2 =	vld [tilespmem:s17+$0x0]  }
0x4d: {  	v3 =	vld [tilespmem:s17+$0x80];
	_ =	sdelay $0x1  }
0x4e: {  	v4 =	vld [tilespmem:s17+$0x100];
	_ =	sdelay $0x1  }
0x4f: {  	v5 =	vld [tilespmem:s17+$0x180]  }
0x50: {  	vm1 =	vgt.f32 v3, v2  }
0x51: {  	v6 =	vld [tilespmem:s17+$0x200];
	v2 =	vsel vm1, v3, v2  }
0x52: {  	vm2 =	vgt.f32 v4, v2  }
0x53: {  	v3 =	vld [tilespmem:s17+$0x280];
	v2 =	vsel vm2, v4, v2  }
0x54: {  	vm3 =	vgt.f32 v5, v2  }
0x55: {  	v61 =	vld [tilespmem:s17+$0x300];
	v2 =	vsel vm3, v5, v2  }
0x56: {  	vm4 =	vgt.f32 v6, v2  }
0x57: {  	v7 =	vld [tilespmem:s17+$0x380];
	v62 =	vsel vm1, $0x1, v0;
	v2 =	vsel vm4, v6, v2  }
0x58: {  	v5 =	vsel vm2, $0x2, v62;
	vm1 =	vgt.f32 v3, v2  }
0x59: {  	v5 =	vsel vm3, $0x3, v5;
	v2 =	vsel vm1, v3, v2  }
0x5a: {  	v3 =	vsel vm4, $0x4, v5;
	vm2 =	vgt.f32 v61, v2  }
0x5b: {  	v3 =	vsel vm1, $0x5, v3;
	v2 =	vsel vm2, v61, v2  }
0x5c: {  	v3 =	vsel vm2, $0x6, v3;
	vm1 =	vgt.f32 v7, v2  }
0x5d: {  	v2 =	vsel vm1, $0x7, v3  }
0x5e: {  	(xrf1) =	vunique.msk.u32 $0xffff, v2;
	_ =	sdelay $0xa  }
0x5f: {  	[tilespmem:s16+$0x0] =	vst v2  }
0x60: {  	v3 =	vld.idx.msk [tilespmem:v2+s10+$0x0], $0xffff;
	_ =	sdelay $0x1  }
0x61: {  	_, v63, vm1 =	vpop (xrf1);
	_ =	sdelay $0x2  }
0x62: {  	v3 =	vadd.s32 v3, v63  }
0x63: {  	v4 =	vadd.s32 $0xFFFFFFFF, v3  }
0x64: {  	[tilespmem:s15+$0x0] =	vst v4  }
0x65: {  	s16 =	simm.s32 $0x4000;
	s15 =	simm.s32 $0x0;
	[tilespmem:v2+s10+$0x0] =	vst.idx.msk vm1, v3  }
0x66: {  	[hbm4b:s2+s15] =	stream.linear.scatter [tilespmem:s16], [sflag:$0x1], $0x800, $0x38;
	[tilespmem:$0x5900] =	vst v63  }
0x67: {  	_ =	swait.ge [sflag:s9], $0x800  }
0x68: {  	[sflag:s9] =	ssyncset.done $0x0  }
0x69: {  	[sflag:s9] =	ssyncadd.s32 $0xFFFFF800  }
0x6a: {  	v2 =	vld [tilespmem:$0x5880];
	_ =	sdelay $0x4  }
0x6b: {  	(xrf0) =	vadd.scan.msk.s32 $0xffff, v2;
	_ =	sdelay $0x5  }
0x6c: {  	v3, _, _ =	vpop (xrf0)  }
0x6d: {  	v2 =	vsub.s32 v3, v2  }
0x6e: {  	v2 =	vnsel vm0, $0x800, v2  }
0x6f: {  	[tilespmem:$0x5800] =	vst v2  }
0x70: {  	[hbm4b:s4+s15] =	stream.linear.scatter [tilespmem:s11], [sflag:$0x1], $0x80, $0x38;
	[tilespmem:$0x5900] =	vst v63  }
0x71: {  	_ =	swait.ge [sflag:s9], $0x80  }
0x72: {  	[sflag:s9] =	ssyncset.done $0x0  }
0x73: {  	s17 =	simm.s32 $0x4800;
	[sflag:s9] =	ssyncadd.s32 $0xFFFFFF80  }
.LBB2_5:
0x74: {  	v2 =	vld [tilespmem:s16+$0x0];
	_ =	sdelay $0x6  }
0x75: {  	v3 =	vld [tilespmem:s17+$0x0]  }
0x76: {  	v2 =	vld.idx.msk [tilespmem:v2+s11+$0x0], $0xffff;
	_ =	sdelay $0x4  }
0x77: {  	v2 =	vadd.s32 v2, v3  }
0x78: {  	vm1 =	vgt.s32 v2, $0x0  }
0x79: {  	v2 =	vnsel vm1, $0x0, v2  }
0x7a: {  	p0 =	sne.s32 s15, $0x7F0;
	v2 =	vmin.u32 v2, $0x7FF  }
.Ltmp2:
0x7b: {  	_ = 	snop;
	(pc) =	sbr.rel @p0 .LBB2_5-.Ltmp2, $3  }
0x7c: {  	_ =	sdelay $0x1  }
0x7d: {  	v3 =	vor.u32 s15, v1;
	[tilespmem:s17+$0x0] =	vst v2  }
0x7e: {  	s16 =	sadd.s32 $0x10, s16;
	s15 =	sadd.s32 $0x10, s15;
	s17 =	sadd.s32 $0x10, s17;
	[tilespmem:v2+s12+$0x0] =	vst.idx.msk $0xffff, v3  }
0x7f: {  	[hbm4b:s5+s8] =	stream.linear.scatter [tilespmem:s13], [sflag:$0x1], $0x800, $0x38;
	[tilespmem:$0x5900] =	vst v63  }
0x80: {  	s14 =	sadd.s32 $0x1, s14;
	_ =	swait.ge [sflag:s9], $0x800  }
0x81: {  	p0 =	sne.s32 s14, s7;
	[sflag:s9] =	ssyncset.done $0x0  }
.Ltmp3:
0x82: {  	[sflag:s9] =	ssyncadd.s32 $0xFFFFF800;
	(pc) =	sbr.rel @p0 .LBB2_2-.Ltmp3, $4  }
0x83: {  	[hbm4b:s6+s8] =	stream.linear.scatter [tilespmem:s12], [sflag:$0x1], $0x800, $0x38;
	[tilespmem:$0x5900] =	vst v63  }
0x84: {  	_ =	swait.ge [sflag:s9], $0x800  }
0x85: {  	[sflag:s9] =	ssyncset.done $0x0  }
0x86: {  	[sflag:s9] =	ssyncadd.s32 $0xFFFFF800  }
.LBB2_7:
0x87: {  	_ =	sfence.sel $0x180000  }
0x88: {  	[bflag:$0x0] =	sbarrier.arrive $0xFFFF  }
0x89: {  	p0 =	sne.s32 s1, $0x0;
	_ =	strace $0x90000047  }
0x8a: {  	s0 =	sadd.s32 @!p0 $0x100000, s3;
	[bflag:$0x2] =	sbarrier.arrive $0xFFFF  }
0x8b: {  	[sflag:s0] =	ssyncadd.tile.s32 @!p0 $0x1;
	_ =	shalt  }
.Lfunc_end2:
_tile_overlayer_lowered:
.L_overlay_start_2:
0x8c: {  	(tag) =	ssettag $0x2  }
0x8d: {  	s0 =	rddreg [dreg:$0x0];
	s2 =	stileid.u32  }
0x8e: {  	s1 =	rddreg [dreg:$0x1];
	p0 =	sne.s32 s2, $0x0  }
0x8f: {  	s3 =	rddreg [dreg:$0x2];
	[bflag:$0x3] =	sbarrier.arrive $0xFFFF;
	s2 =	simm.s32 @!p0 $0x1C01  }
0x90: {  	[timem:s3], [sflag:s2] =	dma.local @!p0 [hbm:s0], s1  }
0x91: {  	s0 =	simm.s32 @!p0 $0x1  }
0x92: {  	_ =	swait.ge @!p0 [sflag:s0], s1  }
0x93: {  	s1 =	ssub.s32 @!p0 $0x0, s1;
	[sflag:s0] =	ssyncset.done @!p0 $0x0  }
0x94: {  	[sflag:s0] =	ssyncadd.s32 @!p0 s1  }
0x95: {  	[bflag:$0x3] =	sbarrier.arrive $0xFFFF  }
0x96: {  	_ =	shalt  }

// kernel: kernel.9.cloned.1.call-start
scs
__scs_entry_jumppad:
0x0: {  	(pc) =	sbr.rel $0x88, $3  }
0x1: {  	(tag) =	ssettag $0x0;
	lr =	simm.s32 $0x1  }
0x2: {  	[smem:$0x3F97] =	sst lr;
	_ =	strace $0xD0000000  }
0x3: {  	_ = 	snop  }
0x4: {  	_ = 	snop  }
0x5: {  	_ = 	snop  }
0x6: {  	_ = 	snop  }
0x7: {  	_ = 	snop  }
__scs_overlays_trampoline_lowered:
0x8: {  	[smem:$0x3FA6] =	sst s0  }
0x9: {  	[smem:$0x3FA7] =	sst s1  }
0xa: {  	[smem:$0x3FA8] =	sst s2  }
0xb: {  	[smem:$0x3FA9] =	sst s3  }
0xc: {  	[smem:$0x3FAA] =	sst s4  }
0xd: {  	[smem:$0x3FAB] =	sst s5  }
0xe: {  	[smem:$0x3FAC] =	sst s6  }
0xf: {  	[smem:$0x3FAD] =	sst s7  }
0x10: {  	[smem:$0x3FAE] =	sst s8  }
0x11: {  	[smem:$0x3FAF] =	sst s9;
	s0 =	simm.s32 @!p0 $0x0  }
0x12: {  	s1 =	sld [smem:$0x3F95];
	s0 =	simm.s32 @p0 $0x1  }
0x13: {  	[smem:$0x3FB0] =	sst s0;
	s0 =	simm.s32 @!p1 $0x0  }
0x14: {  	s2 =	sld [smem:$0x3F94];
	s0 =	simm.s32 @p1 $0x1  }
0x15: {  	[smem:$0x3FB1] =	sst s0;
	s0 =	simm.s32 @!p2 $0x0  }
0x16: {  	s3 =	sld [smem:$0x3FDB];
	s0 =	simm.s32 @p2 $0x1  }
0x17: {  	s4 =	simm.s32 $0x1BF5;
	[smem:$0x3FB3] =	sst s0  }
0x18: {  	s0 =	sld [smem:$0x3F96];
	_ =	swait.ge [sflag:s4], $0x0  }
0x19: {  	s7 =	sld [smem:$0x3F97]  }
0x1a: {  	s8 =	sadd.s32 $0xFFFFE003, lr  }
0x1b: {  	s9 =	sadd.s32 $0xFFFFFEF7, lr;
	s5 =	simm.s32 $0xFFFFFFFF;
	p2 =	slt.u32 s8, $0xFFFFF086  }
0x1c: {  	p1 =	slt.u32 s9, $0xF7A;
	s5 =	simm.s32 @!p2 $0x0  }
0x1d: {  	s5 =	simm.s32 @p1 $0x1;
	p0 =	seq.s32 s7, s2  }
0x1e: {  	s7 =	smul.u32 @!p0 $0xF7A, s2;
	p2 =	seq.s32 @!p0 s5, $0x0  }
0x1f: {  	s9 =	smul.u32 $0xF7A, s1;
	s8 =	simm.s32 @!p0 $0x1BF5;
	p2 =	por !p2, p0  }
0x20: {  	[sflag:s8] =	ssyncset.s32 @!p0 $0xFFFFF086;
	s6 =	sadd.s32 @!p0 s3, s7;
	s7 =	simm.s32 @!p0 $0x108  }
0x21: {  	s3 =	sadd.s32 s3, s9;
	s6 =	sadd.s32 @!p0 $0x88, s6;
	s7 =	simm.s32 @p2 $0x1082  }
0x22: {  	[simem:s7], [sflag:s8] =	dma.local @!p0 [hbm:s6], $0xF7A  }
0x23: {  	s9 =	sor.u32 $0xD0000000, s2;
	s6 =	simm.s32 $0x108;
	_ =	swait.ge @!p0 [sflag:s8], $0x0  }
0x24: {  	s3 =	sadd.s32 $0x88, s3;
	s6 =	simm.s32 @!p1 $0x1082;
	[sflag:s4] =	ssyncset.s32 $0xFFFFF086  }
0x25: {  	[simem:s6], [sflag:s4] =	dma.local [hbm:s3], $0xF7A  }
0x26: {  	[smem:$0x3F97] =	sst s1;
	(tag) =	ssettag s2;
	_ =	strace s9  }
0x27: {  	s1 =	sld [smem:$0x3FA7]  }
0x28: {  	s2 =	sld [smem:$0x3FA8]  }
0x29: {  	s4 =	sld [smem:$0x3FAA]  }
0x2a: {  	p0 =	seq.s32 s5, $0x0;
	s5 =	sld [smem:$0x3FAB]  }
0x2b: {  	s6 =	sld [smem:$0x3FAC]  }
0x2c: {  	s7 =	sld [smem:$0x3FAD]  }
0x2d: {  	s3 =	simm.s32 $0x108;
	s8 =	sld [smem:$0x3FAE]  }
0x2e: {  	s3 =	simm.s32 @!p0 $0x1082;
	s9 =	sld [smem:$0x3FAF]  }
0x2f: {  	lr =	sadd.s32 s0, s3;
	s0 =	sld [smem:$0x3FA6]  }
0x30: {  	s3 =	sld [smem:$0x3FA9]  }
0x31: {  	[smem:$0x3FB2] =	sst s10  }
0x32: {  	s10 =	sld [smem:$0x3FB0];
	_ =	sdelay $0x3  }
0x33: {  	p0 =	seq.s32 s10, $0x1;
	s10 =	sld [smem:$0x3FB2];
	_ =	sdelay $0x3  }
0x34: {  	[smem:$0x3FB2] =	sst s10  }
0x35: {  	s10 =	sld [smem:$0x3FB1];
	_ =	sdelay $0x3  }
0x36: {  	p1 =	seq.s32 s10, $0x1;
	s10 =	sld [smem:$0x3FB2];
	_ =	sdelay $0x3  }
0x37: {  	[smem:$0x3FB2] =	sst s10  }
0x38: {  	s10 =	sld [smem:$0x3FB3]  }
0x39: {  	_ = 	snop;
	(pc) =	sbr.ind lr, $3  }
0x3a: {  	_ = 	snop  }
0x3b: {  	_ = 	snop  }
0x3c: {  	p2 =	seq.s32 s10, $0x1;
	s10 =	sld [smem:$0x3FB2]  }
0x3d: {  	_ =	shalt  }
0x3e: {  	_ =	shalt  }
0x3f: {  	_ =	shalt  }
0x40: {  	_ =	shalt  }
0x41: {  	_ =	shalt  }
0x42: {  	_ =	shalt  }
0x43: {  	_ =	shalt  }
0x44: {  	_ =	shalt  }
0x45: {  	_ =	shalt  }
0x46: {  	_ =	shalt  }
0x47: {  	_ =	shalt  }
0x48: {  	_ =	shalt  }
0x49: {  	_ =	shalt  }
0x4a: {  	_ =	shalt  }
0x4b: {  	_ =	shalt  }
0x4c: {  	_ =	shalt  }
0x4d: {  	_ =	shalt  }
0x4e: {  	_ =	shalt  }
0x4f: {  	_ =	shalt  }
0x50: {  	_ =	shalt  }
0x51: {  	_ =	shalt  }
0x52: {  	_ =	shalt  }
0x53: {  	_ =	shalt  }
0x54: {  	_ =	shalt  }
0x55: {  	_ =	shalt  }
0x56: {  	_ =	shalt  }
0x57: {  	_ =	shalt  }
0x58: {  	_ =	shalt  }
0x59: {  	_ =	shalt  }
0x5a: {  	_ =	shalt  }
0x5b: {  	_ =	shalt  }
0x5c: {  	_ =	shalt  }
0x5d: {  	_ =	shalt  }
0x5e: {  	_ =	shalt  }
0x5f: {  	_ =	shalt  }
0x60: {  	_ =	shalt  }
0x61: {  	_ =	shalt  }
0x62: {  	_ =	shalt  }
0x63: {  	_ =	shalt  }
0x64: {  	_ =	shalt  }
0x65: {  	_ =	shalt  }
0x66: {  	_ =	shalt  }
0x67: {  	_ =	shalt  }
0x68: {  	_ =	shalt  }
0x69: {  	_ =	shalt  }
0x6a: {  	_ =	shalt  }
0x6b: {  	_ =	shalt  }
0x6c: {  	_ =	shalt  }
0x6d: {  	_ =	shalt  }
0x6e: {  	_ =	shalt  }
0x6f: {  	_ =	shalt  }
0x70: {  	_ =	shalt  }
0x71: {  	_ =	shalt  }
0x72: {  	_ =	shalt  }
0x73: {  	_ =	shalt  }
0x74: {  	_ =	shalt  }
0x75: {  	_ =	shalt  }
0x76: {  	_ =	shalt  }
0x77: {  	_ =	shalt  }
0x78: {  	_ =	shalt  }
0x79: {  	_ =	shalt  }
0x7a: {  	_ =	shalt  }
0x7b: {  	_ =	shalt  }
0x7c: {  	_ =	shalt  }
0x7d: {  	_ =	shalt  }
0x7e: {  	_ =	shalt  }
0x7f: {  	_ =	shalt  }
0x80: {  	_ =	shalt  }
0x81: {  	_ =	shalt  }
0x82: {  	_ =	shalt  }
0x83: {  	_ =	shalt  }
0x84: {  	_ =	shalt  }
0x85: {  	_ =	shalt  }
0x86: {  	_ =	shalt  }
0x87: {  	_ =	shalt  }
.Lfunc_end0:
.L_simem_size_0:
called_computation.1_lowered:
.L_overlay_start_0:
0x88: {  	s2 =	sld [smem:$0x3FD9]  }
0x89: {  	s3 =	sld [smem:$0x3FFE];
	_ =	sdelay $0x1  }
0x8a: {  	s1 =	srdreg.scid  }
0x8b: {  	s0 =	sand.u32 $0x1, s1  }
0x8c: {  	s14 =	sshll.u32 s0, $0xA;
	s2 =	sadd.s32 s3, s2  }
0x8d: {  	s2 =	sadd.s32 s2, s14  }
0x8e: {  	[smem:$0x3FBE] =	sst s2  }
0x8f: {  	_ = 	snop  }
0x90: {  	s2 =	sld [smem:$0x3FD0];
	_ =	sdelay $0x2  }
0x91: {  	s4 =	simm.s32 $0xA;
	s5 =	simm.s32 $0x10;
	s15 =	sld [smem:$0x3FC9]  }
0x92: {  	[smem:s5], [sflag:s4] =	dma.local [hbm:s2], $0x1  }
0x93: {  	_ =	swait.eq [sflag:s4], $0x1  }
0x94: {  	[sflag:s4] =	ssyncset.done $0x0  }
0x95: {  	[sflag:s4] =	ssyncadd.s32 $0xFFFFFFFF  }
0x96: {  	s16 =	sld [smem:$0x10];
	(tm) =	ssettm $0x1  }
0x97: {  	s17 =	sld [smem:$0x3FFB];
	_ =	sdelay $0x3  }
0x98: {  	_ =	strace s17  }
0x99: {  	s4 =	sld [smem:$0x3FFC];
	_ =	sdelay $0x3  }
0x9a: {  	_ =	strace s4  }
0x9b: {  	s4 =	sld [smem:$0x3FFD];
	_ =	sdelay $0x3  }
0x9c: {  	_ =	strace s4  }
0x9d: {  	_ =	strace $0x8FFFFFFF  }
0x9e: {  	s18 =	sld [smem:$0x3FDB];
	_ =	sdelay $0x1  }
0x9f: {  	s19 =	simm.s32 $_scs_section_size  }
0xa0: {  	s6 =	simm.s32 $_size__tile_overlayer_lowered;
	s7 =	simm.s32 $_tile_overlayer_lowered  }
0xa1: {  	s22 =	simm.s32 $0x1BFF;
	s21 =	sshll.u32 s7, $0x1;
	s4 =	sadd.s32 s19, s18  }
0xa2: {  	s8 =	simm.s32 $0x0;
	s20 =	sshll.u32 s6, $0x1;
	s6 =	sadd.s32 s21, s4  }
0xa3: {  	[timem:s8], [sflag:s22] =	dma.local [hbm:s6], s20  }
0xa4: {  	_ =	swait.ge [sflag:s22], s20  }
0xa5: {  	s5 =	ssub.s32 $0x0, s20;
	[sflag:s22] =	ssyncset.done $0x0  }
0xa6: {  	[sflag:s22] =	ssyncadd.s32 s5;
	_ =	sdelay $0x1  }
0xa7: {  	s23 =	simm.s32 $0x1B8B  }
0xa8: {  	_ =	swait.ge [sflag:s23], $0x1  }
0xa9: {  	[sflag:s23] =	ssyncset.done $0x0  }
0xaa: {  	s25 =	simm.s32 $0x1B8E;
	s24 =	sld [smem:$0x3FFE];
	[sflag:s23] =	ssyncadd.s32 $0xFFFFFFFF  }
0xab: {  	s26 =	simm.s32 $execute0_lowered;
	[smem:$0x3FD2] =	sst s25  }
0xac: {  	s6 =	sshll.u32 s26, $0x1;
	_ =	strace $0x80000049;
	[dreg:$0x1] =	wrdreg $0xFFFFFFFF  }
0xad: {  	s28 =	simm.s32 $_size_execute0_lowered;
	s4 =	sadd.s32 s4, s6;
	[dreg:$0x0] =	wrdreg $0x0  }
0xae: {  	s6 =	sshll.u32 s28, $0x1;
	[dreg:$0x2] =	wrdreg s4  }
0xaf: {  	[dreg:$0x3] =	wrdreg s6  }
0xb0: {  	[dreg:$0x4] =	wrdreg $0xC0  }
0xb1: {  	_ =	task [dreg:s8], $0x5FFFF  }
0xb2: {  	[dreg:$0x1] =	wrdreg $0xFFFFFFFF  }
0xb3: {  	[dreg:$0x0] =	wrdreg $0x60  }
0xb4: {  	[dreg:$0x2] =	wrdreg s15  }
0xb5: {  	[dreg:$0x3] =	wrdreg s24  }
0xb6: {  	[dreg:$0x4] =	wrdreg s16  }
0xb7: {  	[dreg:$0x5] =	wrdreg $0x9  }
0xb8: {  	_ =	task.clear_ibuf [dreg:s8], $0x6FFFF;
	_ =	strace $0x90000049  }
0xb9: {  	s29 =	simm.s32 $0x9;
	_ =	strace $0x8000004B  }
0xba: {  	_ =	swait.ge [sflag:s29], $0x1  }
0xbb: {  	[sflag:s29] =	ssyncadd.s32 $0xFFFFFFFF  }
0xbc: {  	_ =	strace $0x9000004B  }
0xbd: {  	_ =	sfence  }
0xbe: {  	s30 =	sld [smem:$0x0];
	_ =	sdelay $0x2  }
0xbf: {  	s31 =	sshll.u32 s1, $0xD;
	s1 =	sshrl.u32 s1, $0x2  }
0xc0: {  	s3 =	sand.u32 $0x4000, s31;
	s1 =	sadd.s32 s1, s30  }
0xc1: {  	s0 =	sor.u32 s3, s0;
	s1 =	sshll.u32 s1, $0x11  }
0xc2: {  	s0 =	sor.u32 s1, s0  }
0xc3: {  	s0 =	sadd.s32 $0x8F2B, s0  }
0xc4: {  	[sflag:s0] =	ssyncadd.remote.s32 $0x1  }
0xc5: {  	_ =	sfence.sel $0xFFFF  }
0xc6: {  	[dreg:$0x0] =	wrdreg $0xFFFFFFFF;
	(pc) =	sbr.abs _section_cstart, $3  }
0xc7: {  	[dreg:$0x1] =	wrdreg $0xFFFFFFFF  }
0xc8: {  	_ =	task.clear_ibuf [dreg:s8], $0x2FFFF;
	_ =	strace $0x9FFFFFFF  }
0xc9: {  	(tm) =	ssettm $0x7FFFFFFF  }
tec
execute0_lowered:
.L_overlay_start_1:
0x0: {  	(tag) =	ssettag $0x1  }
0x1: {  	s1 =	rddreg [dreg:$0x0]  }
0x2: {  	s0 =	rddreg [dreg:$0x1]  }
0x3: {  	s5 =	rddreg [dreg:$0x2]  }
0x4: {  	s3 =	srdreg.scid;
	s2 =	stileid.u32;
	s8 =	simm.s32 $0x80  }
0x5: {  	s26 =	simm.s32 $0x880;
	s9 =	simm.s32 $0x1080;
	s10 =	simm.s32 $0x1880  }
0x6: {  	s11 =	simm.s32 $0x2080;
	s12 =	simm.s32 $0x2880;
	s13 =	simm.s32 $0x3080  }
0x7: {  	s14 =	simm.s32 $0x3880;
	s15 =	simm.s32 $0x4080;
	s16 =	simm.s32 $0x4880  }
0x8: {  	s17 =	simm.s32 $0x5080;
	s18 =	simm.s32 $0x5880;
	s19 =	simm.s32 $0x6080  }
0x9: {  	s20 =	simm.s32 $0x6880;
	s21 =	simm.s32 $0x7080;
	s22 =	simm.s32 $0x7880  }
0xa: {  	s23 =	simm.s32 $0x8080;
	s28 =	simm.s32 $0xA080;
	s29 =	simm.s32 $0xA880  }
0xb: {  	s30 =	simm.s32 $0xB080;
	s31 =	simm.s32 $0xB880;
	s4 =	sand.u32 $0x1, s3  }
0xc: {  	s3 =	simm.s32 $0x0;
	s6 =	sshll.u32 s2, $0x4;
	s7 =	sshll.u32 s4, $0x3  }
0xd: {  	[smem:$0x7FF] =	sst s3;
	s4 =	ssub.s32 $0x2, s4;
	s6 =	sor.u32 s7, s6  }
0xe: {  	s24 =	sshrl.u32 s4, $0x1;
	_ =	strace $0x8000004A;
	[dreg:$0x6] =	wrdreg s26  }
0xf: {  	s26 =	simm.s32 $0x9880;
	s0 =	sadd.s32 s6, s0;
	s6 =	smul.u32 $0x300, s6  }
0x10: {  	s7 =	ssub.s32 s4, s24;
	s4 =	sadd.s32 $0x100, s1;
	s0 =	sadd.s32 $0x1000, s0  }
0x11: {  	v2 =	vlaneseq.u32;
	s24 =	simm.s32 $0x8880;
	[dreg:$0x4] =	wrdreg s0;
	s25 =	sadd.s32 s5, s6  }
0x12: {  	vm0 =	vmmov $0xffff;
	v1 =	vshrl.u32 v2, $0x3;
	s5 =	sadd.s32 $0x200, s1;
	s6 =	smax.u32 s7, $0x1;
	s7 =	simm.s32 $0x2  }
0x13: {  	v0 =	vand.u32 $0x7, v2;
	v2 =	vor.u32 $0x8, v2;
	v1 =	vmul.u32 $0x8, v1;
	s0 =	simm.s32 $0x1;
	[dreg:$0x5] =	wrdreg s25;
	s25 =	simm.s32 $0x9080  }
.LBB2_1:
0x14: {  	s2 =	rddreg [dreg:$0x4]  }
0x15: {  	[tilespmem:s3], [sflag:$0x2] =	stream.linear.gather [hbm4b:s2+s3], $0x40, $0x38;
	[tilespmem:$0xC080] =	vst v63  }
0x16: {  	_ =	swait.ge [sflag:s7], $0x40  }
0x17: {  	[sflag:s7] =	ssyncset.done $0x0  }
0x18: {  	[sflag:s7] =	ssyncadd.s32 $0xFFFFFFC0  }
0x19: {  	v3 =	vld [tilespmem:$0x0];
	_ =	sdelay $0x4  }
0x1a: {  	v4 =	vshrl.u32 v3, $0x3  }
0x1b: {  	v4 =	vmul.u32 $0x30, v4  }
0x1c: {  	v3 =	vand.u32 $0x7, v3  }
0x1d: {  	v3 =	vor.u32 v3, v4  }
0x1e: {  	v4 =	vperm.xlane v3, v0;
	_ =	sdelay $0x1  }
0x1f: {  	v4 =	vadd.s32 v1, v4;
	_ =	sdelay $0x3  }
0x20: {  	v3 =	vperm.xlane v3, v2  }
0x21: {  	[tilespmem:s8], [sflag:$0x1] =	stream.indirect_vreg.gather [hbm4b:s1+s3], $0x80, v4, vm0, $0xb8;
	[tilespmem:$0xC080] =	vst v63  }
0x22: {  	s2 =	rddreg [dreg:$0x6];
	v3 =	vadd.s32 v1, v3  }
0x23: {  	[tilespmem:s2], [sflag:$0x1] =	stream.indirect_vreg.gather [hbm4b:s4+s3], $0x80, v4, vm0, $0xb8;
	[tilespmem:$0xC080] =	vst v63  }
0x24: {  	_ = 	snop  }
0x25: {  	[tilespmem:s9], [sflag:$0x1] =	stream.indirect_vreg.gather [hbm4b:s5+s3], $0x80, v4, vm0, $0xb8;
	[tilespmem:$0xC080] =	vst v63  }
0x26: {  	_ = 	snop  }
0x27: {  	[tilespmem:s10], [sflag:$0x1] =	stream.indirect_vreg.gather [hbm4b:s1+s3], $0x80, v3, vm0, $0xb8;
	[tilespmem:$0xC080] =	vst v63  }
0x28: {  	_ = 	snop  }
0x29: {  	[tilespmem:s11], [sflag:$0x1] =	stream.indirect_vreg.gather [hbm4b:s4+s3], $0x80, v3, vm0, $0xb8;
	[tilespmem:$0xC080] =	vst v63  }
0x2a: {  	_ = 	snop  }
0x2b: {  	[tilespmem:s12], [sflag:$0x1] =	stream.indirect_vreg.gather [hbm4b:s5+s3], $0x80, v3, vm0, $0xb8;
	[tilespmem:$0xC080] =	vst v63  }
0x2c: {  	v3 =	vld [tilespmem:$0x10];
	_ =	sdelay $0x4  }
0x2d: {  	v61 =	vshrl.u32 v3, $0x3  }
0x2e: {  	v4 =	vmul.u32 $0x30, v61  }
0x2f: {  	v3 =	vand.u32 $0x7, v3  }
0x30: {  	v3 =	vor.u32 v3, v4  }
0x31: {  	v4 =	vperm.xlane v3, v0;
	_ =	sdelay $0x1  }
0x32: {  	v4 =	vadd.s32 v1, v4;
	_ =	sdelay $0x3  }
0x33: {  	v3 =	vperm.xlane v3, v2  }
0x34: {  	[tilespmem:s13], [sflag:$0x1] =	stream.indirect_vreg.gather [hbm4b:s1+s3], $0x80, v4, vm0, $0xb8;
	[tilespmem:$0xC080] =	vst v63  }
0x35: {  	v3 =	vadd.s32 v1, v3  }
0x36: {  	[tilespmem:s14], [sflag:$0x1] =	stream.indirect_vreg.gather [hbm4b:s4+s3], $0x80, v4, vm0, $0xb8;
	[tilespmem:$0xC080] =	vst v63  }
0x37: {  	_ = 	snop  }
0x38: {  	[tilespmem:s15], [sflag:$0x1] =	stream.indirect_vreg.gather [hbm4b:s5+s3], $0x80, v4, vm0, $0xb8;
	[tilespmem:$0xC080] =	vst v63  }
0x39: {  	_ = 	snop  }
0x3a: {  	[tilespmem:s16], [sflag:$0x1] =	stream.indirect_vreg.gather [hbm4b:s1+s3], $0x80, v3, vm0, $0xb8;
	[tilespmem:$0xC080] =	vst v63  }
0x3b: {  	_ = 	snop  }
0x3c: {  	[tilespmem:s17], [sflag:$0x1] =	stream.indirect_vreg.gather [hbm4b:s4+s3], $0x80, v3, vm0, $0xb8;
	[tilespmem:$0xC080] =	vst v63  }
0x3d: {  	_ = 	snop  }
0x3e: {  	[tilespmem:s18], [sflag:$0x1] =	stream.indirect_vreg.gather [hbm4b:s5+s3], $0x80, v3, vm0, $0xb8;
	[tilespmem:$0xC080] =	vst v63  }
0x3f: {  	v3 =	vld [tilespmem:$0x20];
	_ =	sdelay $0x4  }
0x40: {  	v62 =	vshrl.u32 v3, $0x3  }
0x41: {  	v4 =	vmul.u32 $0x30, v62  }
0x42: {  	v3 =	vand.u32 $0x7, v3  }
0x43: {  	v3 =	vor.u32 v3, v4  }
0x44: {  	v4 =	vperm.xlane v3, v0;
	_ =	sdelay $0x1  }
0x45: {  	v4 =	vadd.s32 v1, v4;
	_ =	sdelay $0x3  }
0x46: {  	v3 =	vperm.xlane v3, v2  }
0x47: {  	[tilespmem:s19], [sflag:$0x1] =	stream.indirect_vreg.gather [hbm4b:s1+s3], $0x80, v4, vm0, $0xb8;
	[tilespmem:$0xC080] =	vst v63  }
0x48: {  	v3 =	vadd.s32 v1, v3  }
0x49: {  	[tilespmem:s20], [sflag:$0x1] =	stream.indirect_vreg.gather [hbm4b:s4+s3], $0x80, v4, vm0, $0xb8;
	[tilespmem:$0xC080] =	vst v63  }
0x4a: {  	_ = 	snop  }
0x4b: {  	[tilespmem:s21], [sflag:$0x1] =	stream.indirect_vreg.gather [hbm4b:s5+s3], $0x80, v4, vm0, $0xb8;
	[tilespmem:$0xC080] =	vst v63  }
0x4c: {  	_ = 	snop  }
0x4d: {  	[tilespmem:s22], [sflag:$0x1] =	stream.indirect_vreg.gather [hbm4b:s1+s3], $0x80, v3, vm0, $0xb8;
	[tilespmem:$0xC080] =	vst v63  }
0x4e: {  	_ = 	snop  }
0x4f: {  	[tilespmem:s23], [sflag:$0x1] =	stream.indirect_vreg.gather [hbm4b:s4+s3], $0x80, v3, vm0, $0xb8;
	[tilespmem:$0xC080] =	vst v63  }
0x50: {  	_ = 	snop  }
0x51: {  	[tilespmem:s24], [sflag:$0x1] =	stream.indirect_vreg.gather [hbm4b:s5+s3], $0x80, v3, vm0, $0xb8;
	[tilespmem:$0xC080] =	vst v63  }
0x52: {  	v3 =	vld [tilespmem:$0x30];
	_ =	sdelay $0x4  }
0x53: {  	v63 =	vshrl.u32 v3, $0x3  }
0x54: {  	v4 =	vmul.u32 $0x30, v63  }
0x55: {  	v3 =	vand.u32 $0x7, v3  }
0x56: {  	v3 =	vor.u32 v3, v4  }
0x57: {  	v4 =	vperm.xlane v3, v0;
	_ =	sdelay $0x1  }
0x58: {  	v4 =	vadd.s32 v1, v4;
	_ =	sdelay $0x3  }
0x59: {  	v3 =	vperm.xlane v3, v2  }
0x5a: {  	[tilespmem:s25], [sflag:$0x1] =	stream.indirect_vreg.gather [hbm4b:s1+s3], $0x80, v4, vm0, $0xb8;
	[tilespmem:$0xC080] =	vst v63  }
0x5b: {  	v3 =	vadd.s32 v1, v3  }
0x5c: {  	[tilespmem:s26], [sflag:$0x1] =	stream.indirect_vreg.gather [hbm4b:s4+s3], $0x80, v4, vm0, $0xb8;
	[tilespmem:$0xC080] =	vst v63  }
0x5d: {  	_ = 	snop  }
0x5e: {  	[tilespmem:s28], [sflag:$0x1] =	stream.indirect_vreg.gather [hbm4b:s5+s3], $0x80, v4, vm0, $0xb8;
	[tilespmem:$0xC080] =	vst v63  }
0x5f: {  	_ = 	snop  }
0x60: {  	[tilespmem:s29], [sflag:$0x1] =	stream.indirect_vreg.gather [hbm4b:s1+s3], $0x80, v3, vm0, $0xb8;
	[tilespmem:$0xC080] =	vst v63  }
0x61: {  	_ = 	snop  }
0x62: {  	[tilespmem:s30], [sflag:$0x1] =	stream.indirect_vreg.gather [hbm4b:s4+s3], $0x80, v3, vm0, $0xb8;
	[tilespmem:$0xC080] =	vst v63  }
0x63: {  	_ = 	snop  }
0x64: {  	[tilespmem:s31], [sflag:$0x1] =	stream.indirect_vreg.gather [hbm4b:s5+s3], $0x80, v3, vm0, $0xb8;
	[tilespmem:$0xC080] =	vst v63  }
0x65: {  	_ =	swait.ge [sflag:s0], $0xC000  }
0x66: {  	p0 =	sne.s32 s6, $0x1;
	[sflag:s0] =	ssyncset.done $0x0  }
.Ltmp0:
0x67: {  	s2 =	rddreg [dreg:$0x5];
	[sflag:s0] =	ssyncadd.s32 $0xFFFF4000;
	(pc) =	sbr.rel @p0 .LBB2_1-.Ltmp0, $4  }
0x68: {  	[hbm4b:s2+s3] =	stream.linear.scatter [tilespmem:s8], [sflag:$0x2], $0xC000, $0x38;
	[tilespmem:$0xC080] =	vst v63  }
0x69: {  	_ =	swait.ge [sflag:s7], $0xC000  }
0x6a: {  	[sflag:s7] =	ssyncset.done $0x0  }
0x6b: {  	s6 =	sadd.s32 $0xFFFFFFFF, s6;
	[sflag:s7] =	ssyncadd.s32 $0xFFFF4000  }
0x6c: {  	_ =	sfence.sel $0x180000  }
0x6d: {  	[bflag:$0x0] =	sbarrier.arrive $0xFFFF  }
0x6e: {  	_ =	strace $0x9000004A  }
0x6f: {  	s0 =	stileid.u32;
	[bflag:$0x2] =	sbarrier.arrive $0xFFFF  }
0x70: {  	p0 =	sne.s32 s0, $0x0;
	s0 =	rddreg [dreg:$0x3]  }
0x71: {  	s0 =	sadd.s32 @!p0 $0x100000, s0  }
0x72: {  	[sflag:s0] =	ssyncadd.tile.s32 @!p0 $0x1;
	_ =	shalt  }
.Lfunc_end2:
_tile_overlayer_lowered:
.L_overlay_start_2:
0x73: {  	(tag) =	ssettag $0x2  }
0x74: {  	s0 =	rddreg [dreg:$0x0];
	s2 =	stileid.u32  }
0x75: {  	s1 =	rddreg [dreg:$0x1];
	p0 =	sne.s32 s2, $0x0  }
0x76: {  	s3 =	rddreg [dreg:$0x2];
	[bflag:$0x3] =	sbarrier.arrive $0xFFFF;
	s2 =	simm.s32 @!p0 $0x1C02  }
0x77: {  	[timem:s3], [sflag:s2] =	dma.local @!p0 [hbm:s0], s1  }
0x78: {  	s0 =	simm.s32 @!p0 $0x2  }
0x79: {  	_ =	swait.ge @!p0 [sflag:s0], s1  }
0x7a: {  	s1 =	ssub.s32 @!p0 $0x0, s1;
	[sflag:s0] =	ssyncset.done @!p0 $0x0  }
0x7b: {  	[sflag:s0] =	ssyncadd.s32 @!p0 s1  }
0x7c: {  	[bflag:$0x3] =	sbarrier.arrive $0xFFFF  }
0x7d: {  	_ =	shalt  }

</sc_bundles>
